<compile_context>
chip_gen: v7x
topology: tpu7x:2x2x1
jax: 0.10.2.dev20260603
libtpu: 0.0.44.dev20260713+nightly
codegen_flags: <defaults>
</compile_context>

<pallas_src>
import dataclasses
import functools

import jax
import jax.numpy as jnp
from jax import lax
from jax.experimental import pallas as pl
from jax.experimental.pallas import tpu as pltpu
from jax.experimental.pallas import tpu_sc as plsc

B, C, H, W = 4, 96, 384, 384
O = 16
HC = WC = 378
S = HC * WC
SF = H * W
P = 1024
RB = 8
NSUB = 16
CHUNK = SF // NSUB
SLOTS = 128
NCAND = NSUB * SLOTS


def _tc1_kernel(fm_ref, w_ref, b_ref, x_ref, pf_ref, xm_ref, prep_ref,
                u_scr):
    r = pl.program_id(1)
    f = fm_ref[0].reshape(C, RB * W)
    pt = lax.dot_general(f, w_ref[...], (((0,), (1,)), ((), ())),
                         precision=lax.Precision.DEFAULT)
    pt = pt + b_ref[...].reshape(1, O)
    pf_ref[...] = pt
    pt2 = lax.dot_general(w_ref[...], f, (((1,), (0,)), ((), ())),
                          precision=lax.Precision.DEFAULT)
    pt2 = pt2 + b_ref[...].reshape(O, 1)
    sq = pt2 * pt2
    t = sq[:8] + sq[8:]
    t = t[:4] + t[4:]
    t = t[:2] + t[2:]
    xr = t[0:1] + t[1:2]
    x_ref[0] = xr.reshape(RB, W)

    xi = lax.bitcast_convert_type(xr.reshape(24, 128), jnp.int32)
    k_idx = lax.broadcasted_iota(jnp.int32, (24, 128), 0)
    lane = lax.broadcasted_iota(jnp.int32, (24, 128), 1)
    h = RB * r + k_idx // 3
    w = (k_idx % 3) * 128 + lane
    valid = (h >= 3) & (h < H - 3) & (w >= 3) & (w < W - 3)
    um = jnp.where(valid, xi, jnp.int32(-1))
    xm_ref[0] = um.reshape(1, 24, 128)
    u_scr[pl.ds(24 * r, 24), :] = um

    @pl.when(r == (H // RB) - 1)
    def _prep():
        u = u_scr[...]
        t_bits = jnp.int32(0)
        for bit in range(30, -1, -1):
            cand = t_bits | jnp.int32(1 << bit)
            cnt = jnp.sum((u >= cand).astype(jnp.float32))
            t_bits = jnp.where(cnt >= P, cand, t_bits)
        n_gt = jnp.sum((u > t_bits).astype(jnp.float32))
        extra = jnp.float32(P) - n_gt
        u3 = u.reshape(NSUB, CHUNK // 128, 128)
        eq_s = jnp.sum((u3 == t_bits).astype(jnp.float32), axis=(1, 2),
                       keepdims=False).reshape(1, NSUB)
        gt_s = jnp.sum((u3 > t_bits).astype(jnp.float32), axis=(1, 2),
                       keepdims=False).reshape(1, NSUB)
        cum = eq_s
        for sh in (1, 2, 4, 8):
            cum = cum + jnp.pad(cum, ((0, 0), (sh, 0)))[:, :NSUB]
        excl = cum - eq_s
        take_s = jnp.clip(extra - excl, 0.0, eq_s)
        cnt_s = gt_s + take_s
        z = jnp.zeros((1, NSUB), jnp.int32)
        prep_ref[0] = jnp.concatenate(
            [jnp.full((1, NSUB), t_bits, jnp.int32),
             take_s.astype(jnp.int32),
             cnt_s.astype(jnp.int32),
             gt_s.astype(jnp.int32), z, z, z, z], axis=0)


def _tc1(featureMaps, conv_w, conv_b):
    return pl.pallas_call(
        _tc1_kernel,
        grid=(B, H // RB),
        in_specs=[
            pl.BlockSpec((1, C, RB, W), lambda bb, r: (bb, 0, r, 0)),
            pl.BlockSpec((O, C), lambda bb, r: (0, 0)),
            pl.BlockSpec((O,), lambda bb, r: (0,)),
        ],
        out_specs=[
            pl.BlockSpec((1, RB, W), lambda bb, r: (bb, r, 0)),
            pl.BlockSpec((RB * W, O), lambda bb, r: (bb * (H // RB) + r, 0)),
            pl.BlockSpec((1, 1, 24, 128), lambda bb, r: (bb, r // 3, r % 3, 0)),
            pl.BlockSpec((1, 8, NSUB), lambda bb, r: (bb, 0, 0)),
        ],
        out_shape=[
            jax.ShapeDtypeStruct((B, H, W), jnp.float32),
            jax.ShapeDtypeStruct((B * H * W, O), jnp.float32),
            jax.ShapeDtypeStruct((B, NSUB, 72, 128), jnp.int32),
            jax.ShapeDtypeStruct((B, 8, NSUB), jnp.int32),
        ],
        scratch_shapes=[pltpu.VMEM((1152, 128), jnp.int32)],
        compiler_params=pltpu.CompilerParams(
            dimension_semantics=("parallel", "arbitrary")),
    )(featureMaps, conv_w, conv_b)


def _sc_compact(xm, prep, pf_rows):
    mesh = plsc.VectorSubcoreMesh(core_axis_name="c", subcore_axis_name="s")
    cp = pltpu.CompilerParams()
    if "needs_layout_passes" in pltpu.CompilerParams.__dataclass_fields__:
        cp = dataclasses.replace(cp, needs_layout_passes=False,
                                 use_tc_tiling_on_sc=False)

    @functools.partial(
        pl.kernel,
        mesh=mesh,
        compiler_params=cp,
        out_type=[
            jax.ShapeDtypeStruct((B, NSUB, SLOTS), jnp.int32),
            jax.ShapeDtypeStruct((B, NSUB, SLOTS), jnp.int32),
            jax.ShapeDtypeStruct((B, NCAND, O), jnp.float32),
        ],
        scratch_types=[
            pltpu.VMEM((CHUNK // 128, 128), jnp.int32),
            pltpu.VMEM((8, NSUB), jnp.int32),
            pltpu.VMEM((SLOTS,), jnp.int32),
            pltpu.VMEM((SLOTS,), jnp.int32),
            pltpu.VMEM((SLOTS,), jnp.int32),
            pltpu.VMEM((SLOTS, O), jnp.float32),
            pltpu.SemaphoreType.DMA,
        ],
    )
    def kern(xm_hbm, prep_hbm, pf_hbm, cb_hbm, ci_hbm, pr_hbm,
             xv, prepv, cbv, civ, cfv, rowsv, sem):
        cid = lax.axis_index("c")
        sid = lax.axis_index("s")
        sidv = jax.lax.broadcast(sid, (NSUB,))
        lanes = lax.iota(jnp.int32, NSUB)
        for j in range(B // 2):
            b = cid + 2 * j
            c1 = pltpu.async_copy(xm_hbm.at[b, sid], xv, sem)
            c2 = pltpu.async_copy(prep_hbm.at[b], prepv, sem)
            c1.wait()
            c2.wait()
            t_vec = prepv[0, :]
            take_vec = plsc.load_gather(
                prepv, [jnp.full((NSUB,), 1, jnp.int32), sidv])
            zero16 = jnp.zeros((NSUB,), jnp.int32)
            for q in range(SLOTS // NSUB):
                cbv[pl.ds(q * NSUB, NSUB)] = zero16 - 1
                civ[pl.ds(q * NSUB, NSUB)] = zero16
                cfv[pl.ds(q * NSUB, NSUB)] = zero16 + b * SF

            base = sid * CHUNK

            def body(g, carry):
                v = xv[g // 8, pl.ds((g % 8) * NSUB, NSUB)]

                def slow(c):
                    off_vec, eq_cnt = c
                    m_gt = v > t_vec
                    m_eq = v == t_vec
                    eq_rank = eq_cnt + plsc.cumsum(
                        m_eq.astype(jnp.int32)) - 1
                    m = m_gt | (m_eq & (eq_rank < take_vec))
                    pos = base + g * NSUB + lanes
                    hh = pos // W
                    ww = pos - hh * W
                    crop = (hh - 3) * WC + (ww - 3)
                    tgt = off_vec + plsc.cumsum(m.astype(jnp.int32)) - 1
                    tgt = jnp.clip(tgt, 0, SLOTS - 1)
                    plsc.store_scatter(cbv, [tgt], v, mask=m)
                    plsc.store_scatter(civ, [tgt], crop, mask=m)
                    plsc.store_scatter(cfv, [tgt], pos + b * SF, mask=m)
                    return (off_vec + plsc.all_reduce_population_count(m),
                            eq_cnt + plsc.all_reduce_population_count(m_eq))

                return lax.cond(jnp.any(v >= t_vec), slow, lambda c: c, carry)

            lax.fori_loop(0, CHUNK // NSUB,
                          body, (jnp.zeros((NSUB,), jnp.int32),
                                 jnp.zeros((NSUB,), jnp.int32)),
                          unroll=False)

            pltpu.async_copy(pf_hbm.at[cfv], rowsv, sem).wait()

            o1 = pltpu.async_copy(cbv, cb_hbm.at[b, sid], sem)
            o2 = pltpu.async_copy(civ, ci_hbm.at[b, sid], sem)
            o3 = pltpu.async_copy(rowsv, pr_hbm.at[b, pl.ds(sid * SLOTS,
                                                            SLOTS)], sem)
            o1.wait()
            o2.wait()
            o3.wait()

    return kern(xm, prep, pf_rows)


def _tc2_kernel(cbr_ref, cbc_ref, cir_ref, cic_ref, pr_ref, fi_ref, pts_ref):
    ub = cbr_ref[0]
    ib = cir_ref[0]
    u_col = cbc_ref[0]
    i_col = cic_ref[0]
    rank = jnp.zeros((NCAND, 1), jnp.float32)
    CJ = 512
    for jc in range(NCAND // CJ):
        uj = ub[:, jc * CJ:(jc + 1) * CJ]
        ij = ib[:, jc * CJ:(jc + 1) * CJ]
        better = (uj > u_col) | ((uj == u_col) & (ij < i_col))
        rank = rank + jnp.sum(better.astype(jnp.float32), axis=1,
                              keepdims=True)
    pts = pr_ref[0]
    ind_f = i_col.astype(jnp.float32)
    rank_i = rank.astype(jnp.int32)
    CQ = 512
    for qc in range(P // CQ):
        qs = lax.broadcasted_iota(jnp.int32, (1, CQ), 1) + (qc * CQ)
        sel = (rank_i == qs).astype(jnp.float32)
        fi = lax.dot_general(sel, ind_f, (((0,), (0,)), ((), ())),
                             precision=lax.Precision.HIGHEST)
        po = lax.dot_general(sel, pts, (((0,), (0,)), ((), ())),
                             precision=lax.Precision.HIGHEST)
        fi_ref[0, qc * CQ:(qc + 1) * CQ, :] = jnp.round(fi).astype(jnp.int32)
        pts_ref[0, qc * CQ:(qc + 1) * CQ, :] = po


def _tc2(cand_bits, cand_inds, pts_cand):
    cbr = cand_bits.reshape(B, 1, NCAND)
    cbc = cand_bits.reshape(B, NCAND, 1)
    cir = cand_inds.reshape(B, 1, NCAND)
    cic = cand_inds.reshape(B, NCAND, 1)
    return pl.pallas_call(
        _tc2_kernel,
        grid=(B,),
        in_specs=[
            pl.BlockSpec((1, 1, NCAND), lambda bb: (bb, 0, 0)),
            pl.BlockSpec((1, NCAND, 1), lambda bb: (bb, 0, 0)),
            pl.BlockSpec((1, 1, NCAND), lambda bb: (bb, 0, 0)),
            pl.BlockSpec((1, NCAND, 1), lambda bb: (bb, 0, 0)),
            pl.BlockSpec((1, NCAND, O), lambda bb: (bb, 0, 0)),
        ],
        out_specs=[
            pl.BlockSpec((1, P, 1), lambda bb: (bb, 0, 0)),
            pl.BlockSpec((1, P, O), lambda bb: (bb, 0, 0)),
        ],
        out_shape=[
            jax.ShapeDtypeStruct((B, P, 1), jnp.int32),
            jax.ShapeDtypeStruct((B, P, O), jnp.float32),
        ],
        compiler_params=pltpu.CompilerParams(
            dimension_semantics=("parallel",)),
    )(cbr, cbc, cir, cic, pts_cand)


def kernel(featureMaps, conv_w, conv_b):
    x_full, pf_full, xm, prep = _tc1(featureMaps, conv_w, conv_b)
    cand_bits, cand_inds, pts_cand = _sc_compact(xm, prep, pf_full)
    fi3, pts = _tc2(cand_bits, cand_inds, pts_cand)
    x = x_full[:, 3:-3, 3:-3].reshape(B, 1, HC, WC)
    return (x, fi3.reshape(B, P), pts)

# --- scband reference (transcript-rebuilt; emitter-appended) ---
"""Pipeline reference for scband-topk-point-extractor-14267881358076 (READ-ONLY COPY).

The authoritative reference and input builder live on the scoring server;
editing this copy changes nothing except your own understanding.
"""

import jax, jax.numpy as jnp
import numpy as np

POINT_NB = 1024

def setup_inputs(seed: int = 0) -> dict:
    key = jax.random.key(seed)
    k1, k2, k3 = jax.random.split(key, 3)
    featureMaps = jax.random.normal(k1, (4, 96, 384, 384), dtype=jnp.float32)
    # conv1x1: nbFeat=96 -> encoderChan=16 (weight [out,in], bias [out])
    conv_w = jax.random.normal(k2, (16, 96), dtype=jnp.float32) * 0.05
    conv_b = jax.random.normal(k3, (16,), dtype=jnp.float32) * 0.05
    return {"featureMaps": featureMaps, "conv_w": conv_w, "conv_b": conv_b}

def reference(featureMaps, conv_w, conv_b):
    # crop borders: featureMaps[:, :, 3:-3, 3:-3]
    fm = featureMaps[:, :, 3:-3, 3:-3]
    # 1x1 conv == channel-mixing einsum
    pf = jnp.einsum('bchw,oc->bohw', fm, conv_w) + conv_b[None, :, None, None]
    # topk_euclinorm=True branch: squared euclidean norm over channels
    x = jnp.sum(pf * pf, axis=1, keepdims=True)  # prob_map [B,1,H,W]
    B = x.shape[0]
    flatX = x.reshape(B, -1)
    _, flatInds = jax.lax.top_k(flatX, POINT_NB)  # largest=True
    W = x.shape[-1]
    abs_ = flatInds % W
    ord_ = flatInds // W
    # mapToList: gather point features at (ord, abs) -> [B, P, C]
    C = pf.shape[1]
    pts = pf[jnp.arange(B)[:, None, None], jnp.arange(C)[None, :, None], ord_[:, None, :], abs_[:, None, :]]
    pts = jnp.transpose(pts, (0, 2, 1))
    return (x, flatInds, pts)

if __name__ == "__main__":
    import jax
    _d = setup_inputs()
    print(jax.jit(kernel)(*tuple(_d.values())))

</pallas_src>

<mosaic_0001>
#map = affine_map<(d0, d1) -> (0, 0, 0, 0)>
#map1 = affine_map<(d0, d1) -> (0, 0, 0)>
#map2 = affine_map<(d0, d1) -> (0, 0)>
module attributes {stable_mosaic.version = 14 : i64} {
  func.func @kern(%arg0: i32, %arg1: i32, %arg2: memref<4x16x72x128xi32, #tpu.memory_space<hbm>>, %arg3: memref<4x8x16xi32, #tpu.memory_space<hbm>>, %arg4: memref<589824x16xf32, #tpu.memory_space<hbm>>, %arg5: memref<4x16x128xi32, #tpu.memory_space<hbm>>, %arg6: memref<4x16x128xi32, #tpu.memory_space<hbm>>, %arg7: memref<4x2048x16xf32, #tpu.memory_space<hbm>>, %arg8: memref<72x128xi32, #tpu.memory_space<vmem>>, %arg9: memref<8x16xi32, #tpu.memory_space<vmem>>, %arg10: memref<128xi32, #tpu.memory_space<vmem>>, %arg11: memref<128xi32, #tpu.memory_space<vmem>>, %arg12: memref<128xi32, #tpu.memory_space<vmem>>, %arg13: memref<128x16xf32, #tpu.memory_space<vmem>>, %arg14: memref<!tpu.dma_semaphore, #tpu.memory_space<semaphore_mem>>) attributes {dimension_semantics = [#tpu.dimension_semantics<core_parallel>, #tpu.dimension_semantics<subcore_parallel>], iteration_bounds = array<i64: 2, 16>, scalar_prefetch = 0 : i64, scratch_operands = 7 : i64, tpu.core_type = #tpu.core_type<sc_vector_subcore>, window_params = [{transform_indices = #map}, {transform_indices = #map1}, {transform_indices = #map2}, {transform_indices = #map1}, {transform_indices = #map1}, {transform_indices = #map1}]} {
    %broadcast_in_dim3A = vector.broadcast %arg1 : i32 to vector<16xi32>
    %iota3A = tpu.iota {dimensions = array<i32: 0>} : vector<16xi32>
    %add3A = arith.constant 0 : i32
    %add3A_0 = arith.addi %arg0, %add3A : i32
    %dma_start3A = arith.constant 0 : i32
    %dma_start3A_1 = arith.constant 0 : i32
    %dma_start3A_2 = tpu.memref_slice %arg2[%add3A_0, %arg1, %dma_start3A, %dma_start3A_1] : memref<4x16x72x128xi32, #tpu.memory_space<hbm>> -> memref<1x1x72x128xi32, #tpu.memory_space<hbm>>
    %dma_start3A_3 = tpu.memref_squeeze %dma_start3A_2 : memref<1x1x72x128xi32, #tpu.memory_space<hbm>> -> memref<72x128xi32, #tpu.memory_space<hbm>>
    %dma_start3A_4 = arith.constant 0 : i32
    %dma_start3A_5 = arith.constant 0 : i32
    %dma_start3A_6 = tpu.memref_slice %arg2[%add3A_0, %arg1, %dma_start3A_4, %dma_start3A_5] : memref<4x16x72x128xi32, #tpu.memory_space<hbm>> -> memref<1x1x72x128xi32, #tpu.memory_space<hbm>>
    %dma_start3A_7 = tpu.memref_squeeze %dma_start3A_6 : memref<1x1x72x128xi32, #tpu.memory_space<hbm>> -> memref<72x128xi32, #tpu.memory_space<hbm>>
    tpu.enqueue_dma source(%dma_start3A_7 : memref<72x128xi32, #tpu.memory_space<hbm>>) target(%arg8 : memref<72x128xi32, #tpu.memory_space<vmem>>) target_semaphore(%arg14 : memref<!tpu.dma_semaphore, #tpu.memory_space<semaphore_mem>>)
    %dma_start3A_8 = arith.constant 0 : i32
    %dma_start3A_9 = arith.constant 0 : i32
    %dma_start3A_10 = tpu.memref_slice %arg3[%add3A_0, %dma_start3A_8, %dma_start3A_9] : memref<4x8x16xi32, #tpu.memory_space<hbm>> -> memref<1x8x16xi32, #tpu.memory_space<hbm>>
    %dma_start3A_11 = tpu.memref_squeeze %dma_start3A_10 : memref<1x8x16xi32, #tpu.memory_space<hbm>> -> memref<8x16xi32, #tpu.memory_space<hbm>>
    %dma_start3A_12 = arith.constant 0 : i32
    %dma_start3A_13 = arith.constant 0 : i32
    %dma_start3A_14 = tpu.memref_slice %arg3[%add3A_0, %dma_start3A_12, %dma_start3A_13] : memref<4x8x16xi32, #tpu.memory_space<hbm>> -> memref<1x8x16xi32, #tpu.memory_space<hbm>>
    %dma_start3A_15 = tpu.memref_squeeze %dma_start3A_14 : memref<1x8x16xi32, #tpu.memory_space<hbm>> -> memref<8x16xi32, #tpu.memory_space<hbm>>
    tpu.enqueue_dma source(%dma_start3A_15 : memref<8x16xi32, #tpu.memory_space<hbm>>) target(%arg9 : memref<8x16xi32, #tpu.memory_space<vmem>>) target_semaphore(%arg14 : memref<!tpu.dma_semaphore, #tpu.memory_space<semaphore_mem>>)
    %dma_wait3A = arith.constant 0 : i32
    %dma_wait3A_16 = arith.constant 0 : i32
    %dma_wait3A_17 = tpu.memref_slice %arg2[%add3A_0, %arg1, %dma_wait3A, %dma_wait3A_16] : memref<4x16x72x128xi32, #tpu.memory_space<hbm>> -> memref<1x1x72x128xi32, #tpu.memory_space<hbm>>
    %dma_wait3A_18 = tpu.memref_squeeze %dma_wait3A_17 : memref<1x1x72x128xi32, #tpu.memory_space<hbm>> -> memref<72x128xi32, #tpu.memory_space<hbm>>
    %dma_wait3A_19 = arith.constant 0 : i32
    %dma_wait3A_20 = arith.constant 0 : i32
    %dma_wait3A_21 = tpu.memref_slice %arg2[%add3A_0, %arg1, %dma_wait3A_19, %dma_wait3A_20] : memref<4x16x72x128xi32, #tpu.memory_space<hbm>> -> memref<1x1x72x128xi32, #tpu.memory_space<hbm>>
    %dma_wait3A_22 = tpu.memref_squeeze %dma_wait3A_21 : memref<1x1x72x128xi32, #tpu.memory_space<hbm>> -> memref<72x128xi32, #tpu.memory_space<hbm>>
    tpu.wait_dma2 semaphore(%arg14 : memref<!tpu.dma_semaphore, #tpu.memory_space<semaphore_mem>>) src(%dma_wait3A_22 : memref<72x128xi32, #tpu.memory_space<hbm>>) dst(%arg8 : memref<72x128xi32, #tpu.memory_space<vmem>>)
    %dma_wait3A_23 = arith.constant 0 : i32
    %dma_wait3A_24 = arith.constant 0 : i32
    %dma_wait3A_25 = tpu.memref_slice %arg3[%add3A_0, %dma_wait3A_23, %dma_wait3A_24] : memref<4x8x16xi32, #tpu.memory_space<hbm>> -> memref<1x8x16xi32, #tpu.memory_space<hbm>>
    %dma_wait3A_26 = tpu.memref_squeeze %dma_wait3A_25 : memref<1x8x16xi32, #tpu.memory_space<hbm>> -> memref<8x16xi32, #tpu.memory_space<hbm>>
    %dma_wait3A_27 = arith.constant 0 : i32
    %dma_wait3A_28 = arith.constant 0 : i32
    %dma_wait3A_29 = tpu.memref_slice %arg3[%add3A_0, %dma_wait3A_27, %dma_wait3A_28] : memref<4x8x16xi32, #tpu.memory_space<hbm>> -> memref<1x8x16xi32, #tpu.memory_space<hbm>>
    %dma_wait3A_30 = tpu.memref_squeeze %dma_wait3A_29 : memref<1x8x16xi32, #tpu.memory_space<hbm>> -> memref<8x16xi32, #tpu.memory_space<hbm>>
    tpu.wait_dma2 semaphore(%arg14 : memref<!tpu.dma_semaphore, #tpu.memory_space<semaphore_mem>>) src(%dma_wait3A_30 : memref<8x16xi32, #tpu.memory_space<hbm>>) dst(%arg9 : memref<8x16xi32, #tpu.memory_space<vmem>>)
    %get3A = arith.constant 0 : i32
    %get3A_31 = arith.index_cast %get3A : i32 to index
    %get3A_32 = arith.constant 0 : index
    %get3A_33 = tpu.vector_load %arg9[%get3A_31, %get3A_32] {strides = array<i32>} : memref<8x16xi32, #tpu.memory_space<vmem>>, vector<16xi32>,
    %broadcast_in_dim3A_34 = arith.constant 1 : i32
    %broadcast_in_dim3A_35 = vector.broadcast %broadcast_in_dim3A_34 : i32 to vector<16xi32>
    %gather3A = tpu.vector_load_idx %arg9[%broadcast_in_dim3A_35, %broadcast_in_dim3A] : memref<8x16xi32, #tpu.memory_space<vmem>>[vector<16xi32>, vector<16xi32>], vector<16xi32>,
    %broadcast_in_dim3A_36 = arith.constant 0 : i32
    %broadcast_in_dim3A_37 = vector.broadcast %broadcast_in_dim3A_36 : i32 to vector<16xi32>
    %sub3A = arith.constant 1 : i32
    %sub3A_38 = vector.broadcast %sub3A : i32 to vector<16xi32>
    %sub3A_39 = arith.subi %broadcast_in_dim3A_37, %sub3A_38 : vector<16xi32>
    %swap3A = arith.constant 0 : index
    %swap3A_40 = tpu.vector_load %arg10[%swap3A] {strides = array<i32>} : memref<128xi32, #tpu.memory_space<vmem>>, vector<16xi32>,
    tpu.vector_store %arg10[%swap3A], %sub3A_39 {strides = array<i32>} : memref<128xi32, #tpu.memory_space<vmem>>, vector<16xi32>,
    %swap3A_41 = arith.constant 0 : index
    %swap3A_42 = tpu.vector_load %arg11[%swap3A_41] {strides = array<i32>} : memref<128xi32, #tpu.memory_space<vmem>>, vector<16xi32>,
    tpu.vector_store %arg11[%swap3A_41], %broadcast_in_dim3A_37 {strides = array<i32>} : memref<128xi32, #tpu.memory_space<vmem>>, vector<16xi32>,
    %mul3A = arith.constant 147456 : i32
    %mul3A_43 = arith.muli %add3A_0, %mul3A : i32
    %add3A_44 = vector.broadcast %mul3A_43 : i32 to vector<16xi32>
    %add3A_45 = arith.addi %broadcast_in_dim3A_37, %add3A_44 : vector<16xi32>
    %swap3A_46 = arith.constant 0 : index
    %swap3A_47 = tpu.vector_load %arg12[%swap3A_46] {strides = array<i32>} : memref<128xi32, #tpu.memory_space<vmem>>, vector<16xi32>,
    tpu.vector_store %arg12[%swap3A_46], %add3A_45 {strides = array<i32>} : memref<128xi32, #tpu.memory_space<vmem>>, vector<16xi32>,
    %sub3A_48 = arith.constant 1 : i32
    %sub3A_49 = vector.broadcast %sub3A_48 : i32 to vector<16xi32>
    %sub3A_50 = arith.subi %broadcast_in_dim3A_37, %sub3A_49 : vector<16xi32>
    %swap3A_51 = arith.constant 16 : index
    %swap3A_52 = tpu.vector_load %arg10[%swap3A_51] {strides = array<i32>} : memref<128xi32, #tpu.memory_space<vmem>>, vector<16xi32>,
    tpu.vector_store %arg10[%swap3A_51], %sub3A_50 {strides = array<i32>} : memref<128xi32, #tpu.memory_space<vmem>>, vector<16xi32>,
    %swap3A_53 = arith.constant 16 : index
    %swap3A_54 = tpu.vector_load %arg11[%swap3A_53] {strides = array<i32>} : memref<128xi32, #tpu.memory_space<vmem>>, vector<16xi32>,
    tpu.vector_store %arg11[%swap3A_53], %broadcast_in_dim3A_37 {strides = array<i32>} : memref<128xi32, #tpu.memory_space<vmem>>, vector<16xi32>,
    %mul3A_55 = arith.constant 147456 : i32
    %mul3A_56 = arith.muli %add3A_0, %mul3A_55 : i32
    %add3A_57 = vector.broadcast %mul3A_56 : i32 to vector<16xi32>
    %add3A_58 = arith.addi %broadcast_in_dim3A_37, %add3A_57 : vector<16xi32>
    %swap3A_59 = arith.constant 16 : index
    %swap3A_60 = tpu.vector_load %arg12[%swap3A_59] {strides = array<i32>} : memref<128xi32, #tpu.memory_space<vmem>>, vector<16xi32>,
    tpu.vector_store %arg12[%swap3A_59], %add3A_58 {strides = array<i32>} : memref<128xi32, #tpu.memory_space<vmem>>, vector<16xi32>,
    %sub3A_61 = arith.constant 1 : i32
    %sub3A_62 = vector.broadcast %sub3A_61 : i32 to vector<16xi32>
    %sub3A_63 = arith.subi %broadcast_in_dim3A_37, %sub3A_62 : vector<16xi32>
    %swap3A_64 = arith.constant 32 : index
    %swap3A_65 = tpu.vector_load %arg10[%swap3A_64] {strides = array<i32>} : memref<128xi32, #tpu.memory_space<vmem>>, vector<16xi32>,
    tpu.vector_store %arg10[%swap3A_64], %sub3A_63 {strides = array<i32>} : memref<128xi32, #tpu.memory_space<vmem>>, vector<16xi32>,
    %swap3A_66 = arith.constant 32 : index
    %swap3A_67 = tpu.vector_load %arg11[%swap3A_66] {strides = array<i32>} : memref<128xi32, #tpu.memory_space<vmem>>, vector<16xi32>,
    tpu.vector_store %arg11[%swap3A_66], %broadcast_in_dim3A_37 {strides = array<i32>} : memref<128xi32, #tpu.memory_space<vmem>>, vector<16xi32>,
    %mul3A_68 = arith.constant 147456 : i32
    %mul3A_69 = arith.muli %add3A_0, %mul3A_68 : i32
    %add3A_70 = vector.broadcast %mul3A_69 : i32 to vector<16xi32>
    %add3A_71 = arith.addi %broadcast_in_dim3A_37, %add3A_70 : vector<16xi32>
    %swap3A_72 = arith.constant 32 : index
    %swap3A_73 = tpu.vector_load %arg12[%swap3A_72] {strides = array<i32>} : memref<128xi32, #tpu.memory_space<vmem>>, vector<16xi32>,
    tpu.vector_store %arg12[%swap3A_72], %add3A_71 {strides = array<i32>} : memref<128xi32, #tpu.memory_space<vmem>>, vector<16xi32>,
    %sub3A_74 = arith.constant 1 : i32
    %sub3A_75 = vector.broadcast %sub3A_74 : i32 to vector<16xi32>
    %sub3A_76 = arith.subi %broadcast_in_dim3A_37, %sub3A_75 : vector<16xi32>
    %swap3A_77 = arith.constant 48 : index
    %swap3A_78 = tpu.vector_load %arg10[%swap3A_77] {strides = array<i32>} : memref<128xi32, #tpu.memory_space<vmem>>, vector<16xi32>,
    tpu.vector_store %arg10[%swap3A_77], %sub3A_76 {strides = array<i32>} : memref<128xi32, #tpu.memory_space<vmem>>, vector<16xi32>,
    %swap3A_79 = arith.constant 48 : index
    %swap3A_80 = tpu.vector_load %arg11[%swap3A_79] {strides = array<i32>} : memref<128xi32, #tpu.memory_space<vmem>>, vector<16xi32>,
    tpu.vector_store %arg11[%swap3A_79], %broadcast_in_dim3A_37 {strides = array<i32>} : memref<128xi32, #tpu.memory_space<vmem>>, vector<16xi32>,
    %mul3A_81 = arith.constant 147456 : i32
    %mul3A_82 = arith.muli %add3A_0, %mul3A_81 : i32
    %add3A_83 = vector.broadcast %mul3A_82 : i32 to vector<16xi32>
    %add3A_84 = arith.addi %broadcast_in_dim3A_37, %add3A_83 : vector<16xi32>
    %swap3A_85 = arith.constant 48 : index
    %swap3A_86 = tpu.vector_load %arg12[%swap3A_85] {strides = array<i32>} : memref<128xi32, #tpu.memory_space<vmem>>, vector<16xi32>,
    tpu.vector_store %arg12[%swap3A_85], %add3A_84 {strides = array<i32>} : memref<128xi32, #tpu.memory_space<vmem>>, vector<16xi32>,
    %sub3A_87 = arith.constant 1 : i32
    %sub3A_88 = vector.broadcast %sub3A_87 : i32 to vector<16xi32>
    %sub3A_89 = arith.subi %broadcast_in_dim3A_37, %sub3A_88 : vector<16xi32>
    %swap3A_90 = arith.constant 64 : index
    %swap3A_91 = tpu.vector_load %arg10[%swap3A_90] {strides = array<i32>} : memref<128xi32, #tpu.memory_space<vmem>>, vector<16xi32>,
    tpu.vector_store %arg10[%swap3A_90], %sub3A_89 {strides = array<i32>} : memref<128xi32, #tpu.memory_space<vmem>>, vector<16xi32>,
    %swap3A_92 = arith.constant 64 : index
    %swap3A_93 = tpu.vector_load %arg11[%swap3A_92] {strides = array<i32>} : memref<128xi32, #tpu.memory_space<vmem>>, vector<16xi32>,
    tpu.vector_store %arg11[%swap3A_92], %broadcast_in_dim3A_37 {strides = array<i32>} : memref<128xi32, #tpu.memory_space<vmem>>, vector<16xi32>,
    %mul3A_94 = arith.constant 147456 : i32
    %mul3A_95 = arith.muli %add3A_0, %mul3A_94 : i32
    %add3A_96 = vector.broadcast %mul3A_95 : i32 to vector<16xi32>
    %add3A_97 = arith.addi %broadcast_in_dim3A_37, %add3A_96 : vector<16xi32>
    %swap3A_98 = arith.constant 64 : index
    %swap3A_99 = tpu.vector_load %arg12[%swap3A_98] {strides = array<i32>} : memref<128xi32, #tpu.memory_space<vmem>>, vector<16xi32>,
    tpu.vector_store %arg12[%swap3A_98], %add3A_97 {strides = array<i32>} : memref<128xi32, #tpu.memory_space<vmem>>, vector<16xi32>,
    %sub3A_100 = arith.constant 1 : i32
    %sub3A_101 = vector.broadcast %sub3A_100 : i32 to vector<16xi32>
    %sub3A_102 = arith.subi %broadcast_in_dim3A_37, %sub3A_101 : vector<16xi32>
    %swap3A_103 = arith.constant 80 : index
    %swap3A_104 = tpu.vector_load %arg10[%swap3A_103] {strides = array<i32>} : memref<128xi32, #tpu.memory_space<vmem>>, vector<16xi32>,
    tpu.vector_store %arg10[%swap3A_103], %sub3A_102 {strides = array<i32>} : memref<128xi32, #tpu.memory_space<vmem>>, vector<16xi32>,
    %swap3A_105 = arith.constant 80 : index
    %swap3A_106 = tpu.vector_load %arg11[%swap3A_105] {strides = array<i32>} : memref<128xi32, #tpu.memory_space<vmem>>, vector<16xi32>,
    tpu.vector_store %arg11[%swap3A_105], %broadcast_in_dim3A_37 {strides = array<i32>} : memref<128xi32, #tpu.memory_space<vmem>>, vector<16xi32>,
    %mul3A_107 = arith.constant 147456 : i32
    %mul3A_108 = arith.muli %add3A_0, %mul3A_107 : i32
    %add3A_109 = vector.broadcast %mul3A_108 : i32 to vector<16xi32>
    %add3A_110 = arith.addi %broadcast_in_dim3A_37, %add3A_109 : vector<16xi32>
    %swap3A_111 = arith.constant 80 : index
    %swap3A_112 = tpu.vector_load %arg12[%swap3A_111] {strides = array<i32>} : memref<128xi32, #tpu.memory_space<vmem>>, vector<16xi32>,
    tpu.vector_store %arg12[%swap3A_111], %add3A_110 {strides = array<i32>} : memref<128xi32, #tpu.memory_space<vmem>>, vector<16xi32>,
    %sub3A_113 = arith.constant 1 : i32
    %sub3A_114 = vector.broadcast %sub3A_113 : i32 to vector<16xi32>
    %sub3A_115 = arith.subi %broadcast_in_dim3A_37, %sub3A_114 : vector<16xi32>
    %swap3A_116 = arith.constant 96 : index
    %swap3A_117 = tpu.vector_load %arg10[%swap3A_116] {strides = array<i32>} : memref<128xi32, #tpu.memory_space<vmem>>, vector<16xi32>,
    tpu.vector_store %arg10[%swap3A_116], %sub3A_115 {strides = array<i32>} : memref<128xi32, #tpu.memory_space<vmem>>, vector<16xi32>,
    %swap3A_118 = arith.constant 96 : index
    %swap3A_119 = tpu.vector_load %arg11[%swap3A_118] {strides = array<i32>} : memref<128xi32, #tpu.memory_space<vmem>>, vector<16xi32>,
    tpu.vector_store %arg11[%swap3A_118], %broadcast_in_dim3A_37 {strides = array<i32>} : memref<128xi32, #tpu.memory_space<vmem>>, vector<16xi32>,
    %mul3A_120 = arith.constant 147456 : i32
    %mul3A_121 = arith.muli %add3A_0, %mul3A_120 : i32
    %add3A_122 = vector.broadcast %mul3A_121 : i32 to vector<16xi32>
    %add3A_123 = arith.addi %broadcast_in_dim3A_37, %add3A_122 : vector<16xi32>
    %swap3A_124 = arith.constant 96 : index
    %swap3A_125 = tpu.vector_load %arg12[%swap3A_124] {strides = array<i32>} : memref<128xi32, #tpu.memory_space<vmem>>, vector<16xi32>,
    tpu.vector_store %arg12[%swap3A_124], %add3A_123 {strides = array<i32>} : memref<128xi32, #tpu.memory_space<vmem>>, vector<16xi32>,
    %sub3A_126 = arith.constant 1 : i32
    %sub3A_127 = vector.broadcast %sub3A_126 : i32 to vector<16xi32>
    %sub3A_128 = arith.subi %broadcast_in_dim3A_37, %sub3A_127 : vector<16xi32>
    %swap3A_129 = arith.constant 112 : index
    %swap3A_130 = tpu.vector_load %arg10[%swap3A_129] {strides = array<i32>} : memref<128xi32, #tpu.memory_space<vmem>>, vector<16xi32>,
    tpu.vector_store %arg10[%swap3A_129], %sub3A_128 {strides = array<i32>} : memref<128xi32, #tpu.memory_space<vmem>>, vector<16xi32>,
    %swap3A_131 = arith.constant 112 : index
    %swap3A_132 = tpu.vector_load %arg11[%swap3A_131] {strides = array<i32>} : memref<128xi32, #tpu.memory_space<vmem>>, vector<16xi32>,
    tpu.vector_store %arg11[%swap3A_131], %broadcast_in_dim3A_37 {strides = array<i32>} : memref<128xi32, #tpu.memory_space<vmem>>, vector<16xi32>,
    %mul3A_133 = arith.constant 147456 : i32
    %mul3A_134 = arith.muli %add3A_0, %mul3A_133 : i32
    %add3A_135 = vector.broadcast %mul3A_134 : i32 to vector<16xi32>
    %add3A_136 = arith.addi %broadcast_in_dim3A_37, %add3A_135 : vector<16xi32>
    %swap3A_137 = arith.constant 112 : index
    %swap3A_138 = tpu.vector_load %arg12[%swap3A_137] {strides = array<i32>} : memref<128xi32, #tpu.memory_space<vmem>>, vector<16xi32>,
    tpu.vector_store %arg12[%swap3A_137], %add3A_136 {strides = array<i32>} : memref<128xi32, #tpu.memory_space<vmem>>, vector<16xi32>,
    %mul3A_139 = arith.constant 9216 : i32
    %mul3A_140 = arith.muli %arg1, %mul3A_139 : i32
    %broadcast_in_dim3A_141 = arith.constant 0 : i32
    %broadcast_in_dim3A_142 = vector.broadcast %broadcast_in_dim3A_141 : i32 to vector<16xi32>
    %broadcast_in_dim3A_143 = arith.constant 0 : i32
    %broadcast_in_dim3A_144 = vector.broadcast %broadcast_in_dim3A_143 : i32 to vector<16xi32>
    %scan3A = arith.constant 0 : i32
    %scan3A_145 = arith.constant 576 : i32
    %scan3A_146 = arith.addi %scan3A, %scan3A_145 : i32
    %scan3A_147 = arith.constant 1 : i32
    %scan3A_148:2 = scf.for %scan3A_397 = %scan3A to %scan3A_146 step %scan3A_147 iter_args(%scan3A_398 = %broadcast_in_dim3A_142, %scan3A_399 = %broadcast_in_dim3A_144) -> (vector<16xi32>, vector<16xi32>)  : i32 {
      %jit3A = arith.constant 8 : i32
      %div3A = arith.divsi %scan3A_397, %jit3A : i32
      %sign3A = arith.constant 0 : i32
      %sign3A_400 = arith.cmpi sgt, %scan3A_397, %sign3A : i32
      %sign3A_401 = arith.extui %sign3A_400 : i1 to i32
      %sign3A_402 = arith.constant 0 : i32
      %sign3A_403 = arith.cmpi slt, %scan3A_397, %sign3A_402 : i32
      %sign3A_404 = arith.extui %sign3A_403 : i1 to i32
      %sign3A_405 = arith.subi %sign3A_401, %sign3A_404 : i32
      %sign3A_406 = arith.constant 0 : i32
      %sign3A_407 = arith.cmpi sgt, %jit3A, %sign3A_406 : i32
      %sign3A_408 = arith.extui %sign3A_407 : i1 to i32
      %sign3A_409 = arith.constant 0 : i32
      %sign3A_410 = arith.cmpi slt, %jit3A, %sign3A_409 : i32
      %sign3A_411 = arith.extui %sign3A_410 : i1 to i32
      %sign3A_412 = arith.subi %sign3A_408, %sign3A_411 : i32
      %ne3A = arith.cmpi ne, %sign3A_405, %sign3A_412 : i32
      %rem3A = arith.remsi %scan3A_397, %jit3A : i32
      %ne3A_413 = arith.constant 0 : i32
      %ne3A_414 = arith.cmpi ne, %rem3A, %ne3A_413 : i32
      %and3A = arith.andi %ne3A, %ne3A_414 : i1
      %sub3A_415 = arith.constant 1 : i32
      %sub3A_416 = arith.subi %div3A, %sub3A_415 : i32
      %select_n3A = arith.select %and3A, %sub3A_416, %div3A : i32
      %jit3A_417 = arith.constant 8 : i32
      %eq3A = arith.constant 0 : i32
      %eq3A_418 = arith.cmpi eq, %jit3A_417, %eq3A : i32
      %jit3A_419 = arith.constant 1 : i32
      %select_n3A_420 = arith.select %eq3A_418, %jit3A_419, %jit3A_417 : i32
      %rem3A_421 = arith.remsi %scan3A_397, %select_n3A_420 : i32
      %ne3A_422 = arith.constant 0 : i32
      %ne3A_423 = arith.cmpi ne, %rem3A_421, %ne3A_422 : i32
      %lt3A = arith.constant 0 : i32
      %lt3A_424 = arith.cmpi slt, %rem3A_421, %lt3A : i32
      %lt3A_425 = arith.constant 0 : i32
      %lt3A_426 = arith.cmpi slt, %select_n3A_420, %lt3A_425 : i32
      %ne3A_427 = arith.xori %lt3A_424, %lt3A_426 : i1
      %and3A_428 = arith.andi %ne3A_427, %ne3A_423 : i1
      %add3A_429 = arith.addi %rem3A_421, %select_n3A_420 : i32
      %select_n3A_430 = arith.select %and3A_428, %add3A_429, %rem3A_421 : i32
      %mul3A_431 = arith.constant 16 : i32
      %mul3A_432 = arith.muli %select_n3A_430, %mul3A_431 : i32
      %get3A_433 = arith.index_cast %select_n3A : i32 to index
      %get3A_434 = arith.index_cast %mul3A_432 : i32 to index
      %get3A_435 = tpu.vector_load %arg8[%get3A_433, %get3A_434] {strides = array<i32>} : memref<72x128xi32, #tpu.memory_space<vmem>>, vector<16xi32>,
      %ge3A = arith.cmpi sge, %get3A_435, %get3A_33 : vector<16xi32>
      %reduce_or3A = arith.constant 1.000000e+00 : f32
      %reduce_or3A_436 = arith.constant 0.000000e+00 : f32
      %reduce_or3A_437 = vector.broadcast %reduce_or3A : f32 to vector<16xf32>
      %reduce_or3A_438 = vector.broadcast %reduce_or3A_436 : f32 to vector<16xf32>
      %reduce_or3A_439 = arith.select %ge3A, %reduce_or3A_437, %reduce_or3A_438 : vector<16xi1>, vector<16xf32>
      %reduce_or3A_440 = arith.constant true
      %reduce_or3A_441 = vector.broadcast %reduce_or3A_440 : i1 to vector<16xi1>
      %reduce_or3A_442 = tpu.scan <max>, %reduce_or3A_439 masked %reduce_or3A_441 : vector<16xf32>, vector<16xi1> -> vector<16xf32>
      %reduce_or3A_443 = vector.extract %reduce_or3A_442[15] : f32 from vector<16xf32>
      %reduce_or3A_444 = arith.constant 0.000000e+00 : f32
      %reduce_or3A_445 = arith.cmpf ogt, %reduce_or3A_443, %reduce_or3A_444 : f32
      %convert_element_type3A = arith.extui %reduce_or3A_445 : i1 to i32
      %cond3A = arith.constant 0 : i32
      %cond3A_446 = arith.cmpi ne, %convert_element_type3A, %cond3A : i32
      %cond3A_447:2 = scf.if %cond3A_446 -> (vector<16xi32>, vector<16xi32>) {
        %gt3A = arith.cmpi sgt, %get3A_435, %get3A_33 : vector<16xi32>
        %eq3A_448 = arith.cmpi eq, %get3A_435, %get3A_33 : vector<16xi32>
        %convert_element_type3A_449 = arith.extui %eq3A_448 : vector<16xi1> to vector<16xi32>
        %broadcast_in_dim3A_450 = arith.constant true
        %broadcast_in_dim3A_451 = vector.broadcast %broadcast_in_dim3A_450 : i1 to vector<16xi1>
        %masked_cumsum3A = tpu.scan <sum>, %convert_element_type3A_449 masked %broadcast_in_dim3A_451 : vector<16xi32>, vector<16xi1> -> vector<16xi32>
        %add3A_452 = arith.addi %scan3A_399, %masked_cumsum3A : vector<16xi32>
        %sub3A_453 = arith.constant 1 : i32
        %sub3A_454 = vector.broadcast %sub3A_453 : i32 to vector<16xi32>
        %sub3A_455 = arith.subi %add3A_452, %sub3A_454 : vector<16xi32>
        %lt3A_456 = arith.cmpi slt, %sub3A_455, %gather3A : vector<16xi32>
        %and3A_457 = arith.andi %eq3A_448, %lt3A_456 : vector<16xi1>
        %or3A = arith.ori %gt3A, %and3A_457 : vector<16xi1>
        %mul3A_458 = arith.constant 16 : i32
        %mul3A_459 = arith.muli %scan3A_397, %mul3A_458 : i32
        %add3A_460 = arith.addi %mul3A_140, %mul3A_459 : i32
        %add3A_461 = vector.broadcast %add3A_460 : i32 to vector<16xi32>
        %add3A_462 = arith.addi %add3A_461, %iota3A : vector<16xi32>
        %jit3A_463 = arith.constant 384 : i32
        %div3A_464 = vector.broadcast %jit3A_463 : i32 to vector<16xi32>
        %div3A_465 = arith.divsi %add3A_462, %div3A_464 : vector<16xi32>
        %sign3A_466 = arith.constant 0 : i32
        %sign3A_467 = vector.broadcast %sign3A_466 : i32 to vector<16xi32>
        %sign3A_468 = arith.cmpi sgt, %add3A_462, %sign3A_467 : vector<16xi32>
        %sign3A_469 = arith.extui %sign3A_468 : vector<16xi1> to vector<16xi32>
        %sign3A_470 = arith.constant 0 : i32
        %sign3A_471 = vector.broadcast %sign3A_470 : i32 to vector<16xi32>
        %sign3A_472 = arith.cmpi slt, %add3A_462, %sign3A_471 : vector<16xi32>
        %sign3A_473 = arith.extui %sign3A_472 : vector<16xi1> to vector<16xi32>
        %sign3A_474 = arith.subi %sign3A_469, %sign3A_473 : vector<16xi32>
        %sign3A_475 = arith.constant 0 : i32
        %sign3A_476 = arith.cmpi sgt, %jit3A_463, %sign3A_475 : i32
        %sign3A_477 = arith.extui %sign3A_476 : i1 to i32
        %sign3A_478 = arith.constant 0 : i32
        %sign3A_479 = arith.cmpi slt, %jit3A_463, %sign3A_478 : i32
        %sign3A_480 = arith.extui %sign3A_479 : i1 to i32
        %sign3A_481 = arith.subi %sign3A_477, %sign3A_480 : i32
        %ne3A_482 = vector.broadcast %sign3A_481 : i32 to vector<16xi32>
        %ne3A_483 = arith.cmpi ne, %sign3A_474, %ne3A_482 : vector<16xi32>
        %rem3A_484 = vector.broadcast %jit3A_463 : i32 to vector<16xi32>
        %rem3A_485 = arith.remsi %add3A_462, %rem3A_484 : vector<16xi32>
        %ne3A_486 = arith.constant 0 : i32
        %ne3A_487 = vector.broadcast %ne3A_486 : i32 to vector<16xi32>
        %ne3A_488 = arith.cmpi ne, %rem3A_485, %ne3A_487 : vector<16xi32>
        %and3A_489 = arith.andi %ne3A_483, %ne3A_488 : vector<16xi1>
        %sub3A_490 = arith.constant 1 : i32
        %sub3A_491 = vector.broadcast %sub3A_490 : i32 to vector<16xi32>
        %sub3A_492 = arith.subi %div3A_465, %sub3A_491 : vector<16xi32>
        %select_n3A_493 = arith.select %and3A_489, %sub3A_492, %div3A_465 : vector<16xi1>, vector<16xi32>
        %mul3A_494 = arith.constant 384 : i32
        %mul3A_495 = vector.broadcast %mul3A_494 : i32 to vector<16xi32>
        %mul3A_496 = arith.muli %select_n3A_493, %mul3A_495 : vector<16xi32>
        %sub3A_497 = arith.subi %add3A_462, %mul3A_496 : vector<16xi32>
        %sub3A_498 = arith.constant 3 : i32
        %sub3A_499 = vector.broadcast %sub3A_498 : i32 to vector<16xi32>
        %sub3A_500 = arith.subi %select_n3A_493, %sub3A_499 : vector<16xi32>
        %mul3A_501 = arith.constant 378 : i32
        %mul3A_502 = vector.broadcast %mul3A_501 : i32 to vector<16xi32>
        %mul3A_503 = arith.muli %sub3A_500, %mul3A_502 : vector<16xi32>
        %sub3A_504 = arith.constant 3 : i32
        %sub3A_505 = vector.broadcast %sub3A_504 : i32 to vector<16xi32>
        %sub3A_506 = arith.subi %sub3A_497, %sub3A_505 : vector<16xi32>
        %add3A_507 = arith.addi %mul3A_503, %sub3A_506 : vector<16xi32>
        %convert_element_type3A_508 = arith.extui %or3A : vector<16xi1> to vector<16xi32>
        %broadcast_in_dim3A_509 = arith.constant true
        %broadcast_in_dim3A_510 = vector.broadcast %broadcast_in_dim3A_509 : i1 to vector<16xi1>
        %masked_cumsum3A_511 = tpu.scan <sum>, %convert_element_type3A_508 masked %broadcast_in_dim3A_510 : vector<16xi32>, vector<16xi1> -> vector<16xi32>
        %add3A_512 = arith.addi %scan3A_398, %masked_cumsum3A_511 : vector<16xi32>
        %sub3A_513 = arith.constant 1 : i32
        %sub3A_514 = vector.broadcast %sub3A_513 : i32 to vector<16xi32>
        %sub3A_515 = arith.subi %add3A_512, %sub3A_514 : vector<16xi32>
        %jit3A_516 = arith.constant 0 : i32
        %jit3A_517 = arith.constant 127 : i32
        %max3A = vector.broadcast %jit3A_516 : i32 to vector<16xi32>
        %max3A_518 = arith.maxsi %max3A, %sub3A_515 : vector<16xi32>
        %min3A = vector.broadcast %jit3A_517 : i32 to vector<16xi32>
        %min3A_519 = arith.minsi %min3A, %max3A_518 : vector<16xi32>
        tpu.vector_store_idx %arg10[%min3A_519], %get3A_435 masked %or3A : memref<128xi32, #tpu.memory_space<vmem>>[vector<16xi32>], vector<16xi32>, vector<16xi1>
        tpu.vector_store_idx %arg11[%min3A_519], %add3A_507 masked %or3A : memref<128xi32, #tpu.memory_space<vmem>>[vector<16xi32>], vector<16xi32>, vector<16xi1>
        %mul3A_520 = arith.constant 147456 : i32
        %mul3A_521 = arith.muli %add3A_0, %mul3A_520 : i32
        %add3A_522 = vector.broadcast %mul3A_521 : i32 to vector<16xi32>
        %add3A_523 = arith.addi %add3A_462, %add3A_522 : vector<16xi32>
        tpu.vector_store_idx %arg12[%min3A_519], %add3A_523 masked %or3A : memref<128xi32, #tpu.memory_space<vmem>>[vector<16xi32>], vector<16xi32>, vector<16xi1>
        %all_reduce_population_count3A = tpu.all_reduce %or3A {dim = 0 : i64, kind = #tpu.reduction_kind<sum>} : vector<16xi1> -> vector<16xi32>
        %add3A_524 = arith.addi %scan3A_398, %all_reduce_population_count3A : vector<16xi32>
        %all_reduce_population_count3A_525 = tpu.all_reduce %eq3A_448 {dim = 0 : i64, kind = #tpu.reduction_kind<sum>} : vector<16xi1> -> vector<16xi32>
        %add3A_526 = arith.addi %scan3A_399, %all_reduce_population_count3A_525 : vector<16xi32>
        scf.yield %add3A_524, %add3A_526 : vector<16xi32>, vector<16xi32>
      } else {
        scf.yield %scan3A_398, %scan3A_399 : vector<16xi32>, vector<16xi32>
      }
      scf.yield %cond3A_447#0, %cond3A_447#1 : vector<16xi32>, vector<16xi32>
    }
    %scan3A_149 = arith.constant 576 : i32
    %dma_start3A_150 = arith.constant 0 : i32
    %dma_start3A_151 = arith.constant 0 : i32
    %dma_start3A_152 = tpu.memref_slice %arg4[%dma_start3A_150, %dma_start3A_151] : memref<589824x16xf32, #tpu.memory_space<hbm>> -> memref<589824x16xf32, #tpu.memory_space<hbm>>
    tpu.enqueue_indirect_dma source(%dma_start3A_152 : memref<589824x16xf32, #tpu.memory_space<hbm>>) target(%arg13 : memref<128x16xf32, #tpu.memory_space<vmem>>) offsets(%arg12 : memref<128xi32, #tpu.memory_space<vmem>>) semaphore(%arg14 : memref<!tpu.dma_semaphore, #tpu.memory_space<semaphore_mem>>)
    %dma_wait3A_153 = arith.constant 0 : i32
    %dma_wait3A_154 = arith.constant 0 : i32
    %dma_wait3A_155 = tpu.memref_slice %arg4[%dma_wait3A_153, %dma_wait3A_154] : memref<589824x16xf32, #tpu.memory_space<hbm>> -> memref<589824x16xf32, #tpu.memory_space<hbm>>
    tpu.wait_indirect_dma semaphore(%arg14 : memref<!tpu.dma_semaphore, #tpu.memory_space<semaphore_mem>>) src(%dma_wait3A_155 : memref<589824x16xf32, #tpu.memory_space<hbm>>) dst(%arg13 : memref<128x16xf32, #tpu.memory_space<vmem>>)
    %dma_start3A_156 = arith.constant 0 : i32
    %dma_start3A_157 = tpu.memref_slice %arg5[%add3A_0, %arg1, %dma_start3A_156] : memref<4x16x128xi32, #tpu.memory_space<hbm>> -> memref<1x1x128xi32, #tpu.memory_space<hbm>>
    %dma_start3A_158 = tpu.memref_squeeze %dma_start3A_157 : memref<1x1x128xi32, #tpu.memory_space<hbm>> -> memref<128xi32, #tpu.memory_space<hbm>>
    %dma_start3A_159 = arith.constant 0 : i32
    %dma_start3A_160 = tpu.memref_slice %arg5[%add3A_0, %arg1, %dma_start3A_159] : memref<4x16x128xi32, #tpu.memory_space<hbm>> -> memref<1x1x128xi32, #tpu.memory_space<hbm>>
    %dma_start3A_161 = tpu.memref_squeeze %dma_start3A_160 : memref<1x1x128xi32, #tpu.memory_space<hbm>> -> memref<128xi32, #tpu.memory_space<hbm>>
    tpu.enqueue_dma source(%arg10 : memref<128xi32, #tpu.memory_space<vmem>>) target(%dma_start3A_161 : memref<128xi32, #tpu.memory_space<hbm>>) target_semaphore(%arg14 : memref<!tpu.dma_semaphore, #tpu.memory_space<semaphore_mem>>)
    %dma_start3A_162 = arith.constant 0 : i32
    %dma_start3A_163 = tpu.memref_slice %arg6[%add3A_0, %arg1, %dma_start3A_162] : memref<4x16x128xi32, #tpu.memory_space<hbm>> -> memref<1x1x128xi32, #tpu.memory_space<hbm>>
    %dma_start3A_164 = tpu.memref_squeeze %dma_start3A_163 : memref<1x1x128xi32, #tpu.memory_space<hbm>> -> memref<128xi32, #tpu.memory_space<hbm>>
    %dma_start3A_165 = arith.constant 0 : i32
    %dma_start3A_166 = tpu.memref_slice %arg6[%add3A_0, %arg1, %dma_start3A_165] : memref<4x16x128xi32, #tpu.memory_space<hbm>> -> memref<1x1x128xi32, #tpu.memory_space<hbm>>
    %dma_start3A_167 = tpu.memref_squeeze %dma_start3A_166 : memref<1x1x128xi32, #tpu.memory_space<hbm>> -> memref<128xi32, #tpu.memory_space<hbm>>
    tpu.enqueue_dma source(%arg11 : memref<128xi32, #tpu.memory_space<vmem>>) target(%dma_start3A_167 : memref<128xi32, #tpu.memory_space<hbm>>) target_semaphore(%arg14 : memref<!tpu.dma_semaphore, #tpu.memory_space<semaphore_mem>>)
    %mul3A_168 = arith.constant 128 : i32
    %mul3A_169 = arith.muli %arg1, %mul3A_168 : i32
    %dma_start3A_170 = arith.constant 0 : i32
    %dma_start3A_171 = tpu.memref_slice %arg7[%add3A_0, %mul3A_169, %dma_start3A_170] : memref<4x2048x16xf32, #tpu.memory_space<hbm>> -> memref<1x128x16xf32, #tpu.memory_space<hbm>>
    %dma_start3A_172 = tpu.memref_squeeze %dma_start3A_171 : memref<1x128x16xf32, #tpu.memory_space<hbm>> -> memref<128x16xf32, #tpu.memory_space<hbm>>
    %dma_start3A_173 = arith.constant 0 : i32
    %dma_start3A_174 = tpu.memref_slice %arg7[%add3A_0, %mul3A_169, %dma_start3A_173] : memref<4x2048x16xf32, #tpu.memory_space<hbm>> -> memref<1x128x16xf32, #tpu.memory_space<hbm>>
    %dma_start3A_175 = tpu.memref_squeeze %dma_start3A_174 : memref<1x128x16xf32, #tpu.memory_space<hbm>> -> memref<128x16xf32, #tpu.memory_space<hbm>>
    tpu.enqueue_dma source(%arg13 : memref<128x16xf32, #tpu.memory_space<vmem>>) target(%dma_start3A_175 : memref<128x16xf32, #tpu.memory_space<hbm>>) target_semaphore(%arg14 : memref<!tpu.dma_semaphore, #tpu.memory_space<semaphore_mem>>)
    %dma_wait3A_176 = arith.constant 0 : i32
    %dma_wait3A_177 = tpu.memref_slice %arg5[%add3A_0, %arg1, %dma_wait3A_176] : memref<4x16x128xi32, #tpu.memory_space<hbm>> -> memref<1x1x128xi32, #tpu.memory_space<hbm>>
    %dma_wait3A_178 = tpu.memref_squeeze %dma_wait3A_177 : memref<1x1x128xi32, #tpu.memory_space<hbm>> -> memref<128xi32, #tpu.memory_space<hbm>>
    %dma_wait3A_179 = arith.constant 0 : i32
    %dma_wait3A_180 = tpu.memref_slice %arg5[%add3A_0, %arg1, %dma_wait3A_179] : memref<4x16x128xi32, #tpu.memory_space<hbm>> -> memref<1x1x128xi32, #tpu.memory_space<hbm>>
    %dma_wait3A_181 = tpu.memref_squeeze %dma_wait3A_180 : memref<1x1x128xi32, #tpu.memory_space<hbm>> -> memref<128xi32, #tpu.memory_space<hbm>>
    tpu.wait_dma2 semaphore(%arg14 : memref<!tpu.dma_semaphore, #tpu.memory_space<semaphore_mem>>) src(%arg10 : memref<128xi32, #tpu.memory_space<vmem>>) dst(%dma_wait3A_181 : memref<128xi32, #tpu.memory_space<hbm>>)
    %dma_wait3A_182 = arith.constant 0 : i32
    %dma_wait3A_183 = tpu.memref_slice %arg6[%add3A_0, %arg1, %dma_wait3A_182] : memref<4x16x128xi32, #tpu.memory_space<hbm>> -> memref<1x1x128xi32, #tpu.memory_space<hbm>>
    %dma_wait3A_184 = tpu.memref_squeeze %dma_wait3A_183 : memref<1x1x128xi32, #tpu.memory_space<hbm>> -> memref<128xi32, #tpu.memory_space<hbm>>
    %dma_wait3A_185 = arith.constant 0 : i32
    %dma_wait3A_186 = tpu.memref_slice %arg6[%add3A_0, %arg1, %dma_wait3A_185] : memref<4x16x128xi32, #tpu.memory_space<hbm>> -> memref<1x1x128xi32, #tpu.memory_space<hbm>>
    %dma_wait3A_187 = tpu.memref_squeeze %dma_wait3A_186 : memref<1x1x128xi32, #tpu.memory_space<hbm>> -> memref<128xi32, #tpu.memory_space<hbm>>
    tpu.wait_dma2 semaphore(%arg14 : memref<!tpu.dma_semaphore, #tpu.memory_space<semaphore_mem>>) src(%arg11 : memref<128xi32, #tpu.memory_space<vmem>>) dst(%dma_wait3A_187 : memref<128xi32, #tpu.memory_space<hbm>>)
    %dma_wait3A_188 = arith.constant 0 : i32
    %dma_wait3A_189 = tpu.memref_slice %arg7[%add3A_0, %mul3A_169, %dma_wait3A_188] : memref<4x2048x16xf32, #tpu.memory_space<hbm>> -> memref<1x128x16xf32, #tpu.memory_space<hbm>>
    %dma_wait3A_190 = tpu.memref_squeeze %dma_wait3A_189 : memref<1x128x16xf32, #tpu.memory_space<hbm>> -> memref<128x16xf32, #tpu.memory_space<hbm>>
    %dma_wait3A_191 = arith.constant 0 : i32
    %dma_wait3A_192 = tpu.memref_slice %arg7[%add3A_0, %mul3A_169, %dma_wait3A_191] : memref<4x2048x16xf32, #tpu.memory_space<hbm>> -> memref<1x128x16xf32, #tpu.memory_space<hbm>>
    %dma_wait3A_193 = tpu.memref_squeeze %dma_wait3A_192 : memref<1x128x16xf32, #tpu.memory_space<hbm>> -> memref<128x16xf32, #tpu.memory_space<hbm>>
    tpu.wait_dma2 semaphore(%arg14 : memref<!tpu.dma_semaphore, #tpu.memory_space<semaphore_mem>>) src(%arg13 : memref<128x16xf32, #tpu.memory_space<vmem>>) dst(%dma_wait3A_193 : memref<128x16xf32, #tpu.memory_space<hbm>>)
    %add3A_194 = arith.constant 2 : i32
    %add3A_195 = arith.addi %arg0, %add3A_194 : i32
    %dma_start3A_196 = arith.constant 0 : i32
    %dma_start3A_197 = arith.constant 0 : i32
    %dma_start3A_198 = tpu.memref_slice %arg2[%add3A_195, %arg1, %dma_start3A_196, %dma_start3A_197] : memref<4x16x72x128xi32, #tpu.memory_space<hbm>> -> memref<1x1x72x128xi32, #tpu.memory_space<hbm>>
    %dma_start3A_199 = tpu.memref_squeeze %dma_start3A_198 : memref<1x1x72x128xi32, #tpu.memory_space<hbm>> -> memref<72x128xi32, #tpu.memory_space<hbm>>
    %dma_start3A_200 = arith.constant 0 : i32
    %dma_start3A_201 = arith.constant 0 : i32
    %dma_start3A_202 = tpu.memref_slice %arg2[%add3A_195, %arg1, %dma_start3A_200, %dma_start3A_201] : memref<4x16x72x128xi32, #tpu.memory_space<hbm>> -> memref<1x1x72x128xi32, #tpu.memory_space<hbm>>
    %dma_start3A_203 = tpu.memref_squeeze %dma_start3A_202 : memref<1x1x72x128xi32, #tpu.memory_space<hbm>> -> memref<72x128xi32, #tpu.memory_space<hbm>>
    tpu.enqueue_dma source(%dma_start3A_203 : memref<72x128xi32, #tpu.memory_space<hbm>>) target(%arg8 : memref<72x128xi32, #tpu.memory_space<vmem>>) target_semaphore(%arg14 : memref<!tpu.dma_semaphore, #tpu.memory_space<semaphore_mem>>)
    %dma_start3A_204 = arith.constant 0 : i32
    %dma_start3A_205 = arith.constant 0 : i32
    %dma_start3A_206 = tpu.memref_slice %arg3[%add3A_195, %dma_start3A_204, %dma_start3A_205] : memref<4x8x16xi32, #tpu.memory_space<hbm>> -> memref<1x8x16xi32, #tpu.memory_space<hbm>>
    %dma_start3A_207 = tpu.memref_squeeze %dma_start3A_206 : memref<1x8x16xi32, #tpu.memory_space<hbm>> -> memref<8x16xi32, #tpu.memory_space<hbm>>
    %dma_start3A_208 = arith.constant 0 : i32
    %dma_start3A_209 = arith.constant 0 : i32
    %dma_start3A_210 = tpu.memref_slice %arg3[%add3A_195, %dma_start3A_208, %dma_start3A_209] : memref<4x8x16xi32, #tpu.memory_space<hbm>> -> memref<1x8x16xi32, #tpu.memory_space<hbm>>
    %dma_start3A_211 = tpu.memref_squeeze %dma_start3A_210 : memref<1x8x16xi32, #tpu.memory_space<hbm>> -> memref<8x16xi32, #tpu.memory_space<hbm>>
    tpu.enqueue_dma source(%dma_start3A_211 : memref<8x16xi32, #tpu.memory_space<hbm>>) target(%arg9 : memref<8x16xi32, #tpu.memory_space<vmem>>) target_semaphore(%arg14 : memref<!tpu.dma_semaphore, #tpu.memory_space<semaphore_mem>>)
    %dma_wait3A_212 = arith.constant 0 : i32
    %dma_wait3A_213 = arith.constant 0 : i32
    %dma_wait3A_214 = tpu.memref_slice %arg2[%add3A_195, %arg1, %dma_wait3A_212, %dma_wait3A_213] : memref<4x16x72x128xi32, #tpu.memory_space<hbm>> -> memref<1x1x72x128xi32, #tpu.memory_space<hbm>>
    %dma_wait3A_215 = tpu.memref_squeeze %dma_wait3A_214 : memref<1x1x72x128xi32, #tpu.memory_space<hbm>> -> memref<72x128xi32, #tpu.memory_space<hbm>>
    %dma_wait3A_216 = arith.constant 0 : i32
    %dma_wait3A_217 = arith.constant 0 : i32
    %dma_wait3A_218 = tpu.memref_slice %arg2[%add3A_195, %arg1, %dma_wait3A_216, %dma_wait3A_217] : memref<4x16x72x128xi32, #tpu.memory_space<hbm>> -> memref<1x1x72x128xi32, #tpu.memory_space<hbm>>
    %dma_wait3A_219 = tpu.memref_squeeze %dma_wait3A_218 : memref<1x1x72x128xi32, #tpu.memory_space<hbm>> -> memref<72x128xi32, #tpu.memory_space<hbm>>
    tpu.wait_dma2 semaphore(%arg14 : memref<!tpu.dma_semaphore, #tpu.memory_space<semaphore_mem>>) src(%dma_wait3A_219 : memref<72x128xi32, #tpu.memory_space<hbm>>) dst(%arg8 : memref<72x128xi32, #tpu.memory_space<vmem>>)
    %dma_wait3A_220 = arith.constant 0 : i32
    %dma_wait3A_221 = arith.constant 0 : i32
    %dma_wait3A_222 = tpu.memref_slice %arg3[%add3A_195, %dma_wait3A_220, %dma_wait3A_221] : memref<4x8x16xi32, #tpu.memory_space<hbm>> -> memref<1x8x16xi32, #tpu.memory_space<hbm>>
    %dma_wait3A_223 = tpu.memref_squeeze %dma_wait3A_222 : memref<1x8x16xi32, #tpu.memory_space<hbm>> -> memref<8x16xi32, #tpu.memory_space<hbm>>
    %dma_wait3A_224 = arith.constant 0 : i32
    %dma_wait3A_225 = arith.constant 0 : i32
    %dma_wait3A_226 = tpu.memref_slice %arg3[%add3A_195, %dma_wait3A_224, %dma_wait3A_225] : memref<4x8x16xi32, #tpu.memory_space<hbm>> -> memref<1x8x16xi32, #tpu.memory_space<hbm>>
    %dma_wait3A_227 = tpu.memref_squeeze %dma_wait3A_226 : memref<1x8x16xi32, #tpu.memory_space<hbm>> -> memref<8x16xi32, #tpu.memory_space<hbm>>
    tpu.wait_dma2 semaphore(%arg14 : memref<!tpu.dma_semaphore, #tpu.memory_space<semaphore_mem>>) src(%dma_wait3A_227 : memref<8x16xi32, #tpu.memory_space<hbm>>) dst(%arg9 : memref<8x16xi32, #tpu.memory_space<vmem>>)
    %get3A_228 = arith.constant 0 : i32
    %get3A_229 = arith.index_cast %get3A_228 : i32 to index
    %get3A_230 = arith.constant 0 : index
    %get3A_231 = tpu.vector_load %arg9[%get3A_229, %get3A_230] {strides = array<i32>} : memref<8x16xi32, #tpu.memory_space<vmem>>, vector<16xi32>,
    %broadcast_in_dim3A_232 = arith.constant 1 : i32
    %broadcast_in_dim3A_233 = vector.broadcast %broadcast_in_dim3A_232 : i32 to vector<16xi32>
    %gather3A_234 = tpu.vector_load_idx %arg9[%broadcast_in_dim3A_233, %broadcast_in_dim3A] : memref<8x16xi32, #tpu.memory_space<vmem>>[vector<16xi32>, vector<16xi32>], vector<16xi32>,
    %broadcast_in_dim3A_235 = arith.constant 0 : i32
    %broadcast_in_dim3A_236 = vector.broadcast %broadcast_in_dim3A_235 : i32 to vector<16xi32>
    %sub3A_237 = arith.constant 1 : i32
    %sub3A_238 = vector.broadcast %sub3A_237 : i32 to vector<16xi32>
    %sub3A_239 = arith.subi %broadcast_in_dim3A_236, %sub3A_238 : vector<16xi32>
    %swap3A_240 = arith.constant 0 : index
    %swap3A_241 = tpu.vector_load %arg10[%swap3A_240] {strides = array<i32>} : memref<128xi32, #tpu.memory_space<vmem>>, vector<16xi32>,
    tpu.vector_store %arg10[%swap3A_240], %sub3A_239 {strides = array<i32>} : memref<128xi32, #tpu.memory_space<vmem>>, vector<16xi32>,
    %swap3A_242 = arith.constant 0 : index
    %swap3A_243 = tpu.vector_load %arg11[%swap3A_242] {strides = array<i32>} : memref<128xi32, #tpu.memory_space<vmem>>, vector<16xi32>,
    tpu.vector_store %arg11[%swap3A_242], %broadcast_in_dim3A_236 {strides = array<i32>} : memref<128xi32, #tpu.memory_space<vmem>>, vector<16xi32>,
    %mul3A_244 = arith.constant 147456 : i32
    %mul3A_245 = arith.muli %add3A_195, %mul3A_244 : i32
    %add3A_246 = vector.broadcast %mul3A_245 : i32 to vector<16xi32>
    %add3A_247 = arith.addi %broadcast_in_dim3A_236, %add3A_246 : vector<16xi32>
    %swap3A_248 = arith.constant 0 : index
    %swap3A_249 = tpu.vector_load %arg12[%swap3A_248] {strides = array<i32>} : memref<128xi32, #tpu.memory_space<vmem>>, vector<16xi32>,
    tpu.vector_store %arg12[%swap3A_248], %add3A_247 {strides = array<i32>} : memref<128xi32, #tpu.memory_space<vmem>>, vector<16xi32>,
    %sub3A_250 = arith.constant 1 : i32
    %sub3A_251 = vector.broadcast %sub3A_250 : i32 to vector<16xi32>
    %sub3A_252 = arith.subi %broadcast_in_dim3A_236, %sub3A_251 : vector<16xi32>
    %swap3A_253 = arith.constant 16 : index
    %swap3A_254 = tpu.vector_load %arg10[%swap3A_253] {strides = array<i32>} : memref<128xi32, #tpu.memory_space<vmem>>, vector<16xi32>,
    tpu.vector_store %arg10[%swap3A_253], %sub3A_252 {strides = array<i32>} : memref<128xi32, #tpu.memory_space<vmem>>, vector<16xi32>,
    %swap3A_255 = arith.constant 16 : index
    %swap3A_256 = tpu.vector_load %arg11[%swap3A_255] {strides = array<i32>} : memref<128xi32, #tpu.memory_space<vmem>>, vector<16xi32>,
    tpu.vector_store %arg11[%swap3A_255], %broadcast_in_dim3A_236 {strides = array<i32>} : memref<128xi32, #tpu.memory_space<vmem>>, vector<16xi32>,
    %mul3A_257 = arith.constant 147456 : i32
    %mul3A_258 = arith.muli %add3A_195, %mul3A_257 : i32
    %add3A_259 = vector.broadcast %mul3A_258 : i32 to vector<16xi32>
    %add3A_260 = arith.addi %broadcast_in_dim3A_236, %add3A_259 : vector<16xi32>
    %swap3A_261 = arith.constant 16 : index
    %swap3A_262 = tpu.vector_load %arg12[%swap3A_261] {strides = array<i32>} : memref<128xi32, #tpu.memory_space<vmem>>, vector<16xi32>,
    tpu.vector_store %arg12[%swap3A_261], %add3A_260 {strides = array<i32>} : memref<128xi32, #tpu.memory_space<vmem>>, vector<16xi32>,
    %sub3A_263 = arith.constant 1 : i32
    %sub3A_264 = vector.broadcast %sub3A_263 : i32 to vector<16xi32>
    %sub3A_265 = arith.subi %broadcast_in_dim3A_236, %sub3A_264 : vector<16xi32>
    %swap3A_266 = arith.constant 32 : index
    %swap3A_267 = tpu.vector_load %arg10[%swap3A_266] {strides = array<i32>} : memref<128xi32, #tpu.memory_space<vmem>>, vector<16xi32>,
    tpu.vector_store %arg10[%swap3A_266], %sub3A_265 {strides = array<i32>} : memref<128xi32, #tpu.memory_space<vmem>>, vector<16xi32>,
    %swap3A_268 = arith.constant 32 : index
    %swap3A_269 = tpu.vector_load %arg11[%swap3A_268] {strides = array<i32>} : memref<128xi32, #tpu.memory_space<vmem>>, vector<16xi32>,
    tpu.vector_store %arg11[%swap3A_268], %broadcast_in_dim3A_236 {strides = array<i32>} : memref<128xi32, #tpu.memory_space<vmem>>, vector<16xi32>,
    %mul3A_270 = arith.constant 147456 : i32
    %mul3A_271 = arith.muli %add3A_195, %mul3A_270 : i32
    %add3A_272 = vector.broadcast %mul3A_271 : i32 to vector<16xi32>
    %add3A_273 = arith.addi %broadcast_in_dim3A_236, %add3A_272 : vector<16xi32>
    %swap3A_274 = arith.constant 32 : index
    %swap3A_275 = tpu.vector_load %arg12[%swap3A_274] {strides = array<i32>} : memref<128xi32, #tpu.memory_space<vmem>>, vector<16xi32>,
    tpu.vector_store %arg12[%swap3A_274], %add3A_273 {strides = array<i32>} : memref<128xi32, #tpu.memory_space<vmem>>, vector<16xi32>,
    %sub3A_276 = arith.constant 1 : i32
    %sub3A_277 = vector.broadcast %sub3A_276 : i32 to vector<16xi32>
    %sub3A_278 = arith.subi %broadcast_in_dim3A_236, %sub3A_277 : vector<16xi32>
    %swap3A_279 = arith.constant 48 : index
    %swap3A_280 = tpu.vector_load %arg10[%swap3A_279] {strides = array<i32>} : memref<128xi32, #tpu.memory_space<vmem>>, vector<16xi32>,
    tpu.vector_store %arg10[%swap3A_279], %sub3A_278 {strides = array<i32>} : memref<128xi32, #tpu.memory_space<vmem>>, vector<16xi32>,
    %swap3A_281 = arith.constant 48 : index
    %swap3A_282 = tpu.vector_load %arg11[%swap3A_281] {strides = array<i32>} : memref<128xi32, #tpu.memory_space<vmem>>, vector<16xi32>,
    tpu.vector_store %arg11[%swap3A_281], %broadcast_in_dim3A_236 {strides = array<i32>} : memref<128xi32, #tpu.memory_space<vmem>>, vector<16xi32>,
    %mul3A_283 = arith.constant 147456 : i32
    %mul3A_284 = arith.muli %add3A_195, %mul3A_283 : i32
    %add3A_285 = vector.broadcast %mul3A_284 : i32 to vector<16xi32>
    %add3A_286 = arith.addi %broadcast_in_dim3A_236, %add3A_285 : vector<16xi32>
    %swap3A_287 = arith.constant 48 : index
    %swap3A_288 = tpu.vector_load %arg12[%swap3A_287] {strides = array<i32>} : memref<128xi32, #tpu.memory_space<vmem>>, vector<16xi32>,
    tpu.vector_store %arg12[%swap3A_287], %add3A_286 {strides = array<i32>} : memref<128xi32, #tpu.memory_space<vmem>>, vector<16xi32>,
    %sub3A_289 = arith.constant 1 : i32
    %sub3A_290 = vector.broadcast %sub3A_289 : i32 to vector<16xi32>
    %sub3A_291 = arith.subi %broadcast_in_dim3A_236, %sub3A_290 : vector<16xi32>
    %swap3A_292 = arith.constant 64 : index
    %swap3A_293 = tpu.vector_load %arg10[%swap3A_292] {strides = array<i32>} : memref<128xi32, #tpu.memory_space<vmem>>, vector<16xi32>,
    tpu.vector_store %arg10[%swap3A_292], %sub3A_291 {strides = array<i32>} : memref<128xi32, #tpu.memory_space<vmem>>, vector<16xi32>,
    %swap3A_294 = arith.constant 64 : index
    %swap3A_295 = tpu.vector_load %arg11[%swap3A_294] {strides = array<i32>} : memref<128xi32, #tpu.memory_space<vmem>>, vector<16xi32>,
    tpu.vector_store %arg11[%swap3A_294], %broadcast_in_dim3A_236 {strides = array<i32>} : memref<128xi32, #tpu.memory_space<vmem>>, vector<16xi32>,
    %mul3A_296 = arith.constant 147456 : i32
    %mul3A_297 = arith.muli %add3A_195, %mul3A_296 : i32
    %add3A_298 = vector.broadcast %mul3A_297 : i32 to vector<16xi32>
    %add3A_299 = arith.addi %broadcast_in_dim3A_236, %add3A_298 : vector<16xi32>
    %swap3A_300 = arith.constant 64 : index
    %swap3A_301 = tpu.vector_load %arg12[%swap3A_300] {strides = array<i32>} : memref<128xi32, #tpu.memory_space<vmem>>, vector<16xi32>,
    tpu.vector_store %arg12[%swap3A_300], %add3A_299 {strides = array<i32>} : memref<128xi32, #tpu.memory_space<vmem>>, vector<16xi32>,
    %sub3A_302 = arith.constant 1 : i32
    %sub3A_303 = vector.broadcast %sub3A_302 : i32 to vector<16xi32>
    %sub3A_304 = arith.subi %broadcast_in_dim3A_236, %sub3A_303 : vector<16xi32>
    %swap3A_305 = arith.constant 80 : index
    %swap3A_306 = tpu.vector_load %arg10[%swap3A_305] {strides = array<i32>} : memref<128xi32, #tpu.memory_space<vmem>>, vector<16xi32>,
    tpu.vector_store %arg10[%swap3A_305], %sub3A_304 {strides = array<i32>} : memref<128xi32, #tpu.memory_space<vmem>>, vector<16xi32>,
    %swap3A_307 = arith.constant 80 : index
    %swap3A_308 = tpu.vector_load %arg11[%swap3A_307] {strides = array<i32>} : memref<128xi32, #tpu.memory_space<vmem>>, vector<16xi32>,
    tpu.vector_store %arg11[%swap3A_307], %broadcast_in_dim3A_236 {strides = array<i32>} : memref<128xi32, #tpu.memory_space<vmem>>, vector<16xi32>,
    %mul3A_309 = arith.constant 147456 : i32
    %mul3A_310 = arith.muli %add3A_195, %mul3A_309 : i32
    %add3A_311 = vector.broadcast %mul3A_310 : i32 to vector<16xi32>
    %add3A_312 = arith.addi %broadcast_in_dim3A_236, %add3A_311 : vector<16xi32>
    %swap3A_313 = arith.constant 80 : index
    %swap3A_314 = tpu.vector_load %arg12[%swap3A_313] {strides = array<i32>} : memref<128xi32, #tpu.memory_space<vmem>>, vector<16xi32>,
    tpu.vector_store %arg12[%swap3A_313], %add3A_312 {strides = array<i32>} : memref<128xi32, #tpu.memory_space<vmem>>, vector<16xi32>,
    %sub3A_315 = arith.constant 1 : i32
    %sub3A_316 = vector.broadcast %sub3A_315 : i32 to vector<16xi32>
    %sub3A_317 = arith.subi %broadcast_in_dim3A_236, %sub3A_316 : vector<16xi32>
    %swap3A_318 = arith.constant 96 : index
    %swap3A_319 = tpu.vector_load %arg10[%swap3A_318] {strides = array<i32>} : memref<128xi32, #tpu.memory_space<vmem>>, vector<16xi32>,
    tpu.vector_store %arg10[%swap3A_318], %sub3A_317 {strides = array<i32>} : memref<128xi32, #tpu.memory_space<vmem>>, vector<16xi32>,
    %swap3A_320 = arith.constant 96 : index
    %swap3A_321 = tpu.vector_load %arg11[%swap3A_320] {strides = array<i32>} : memref<128xi32, #tpu.memory_space<vmem>>, vector<16xi32>,
    tpu.vector_store %arg11[%swap3A_320], %broadcast_in_dim3A_236 {strides = array<i32>} : memref<128xi32, #tpu.memory_space<vmem>>, vector<16xi32>,
    %mul3A_322 = arith.constant 147456 : i32
    %mul3A_323 = arith.muli %add3A_195, %mul3A_322 : i32
    %add3A_324 = vector.broadcast %mul3A_323 : i32 to vector<16xi32>
    %add3A_325 = arith.addi %broadcast_in_dim3A_236, %add3A_324 : vector<16xi32>
    %swap3A_326 = arith.constant 96 : index
    %swap3A_327 = tpu.vector_load %arg12[%swap3A_326] {strides = array<i32>} : memref<128xi32, #tpu.memory_space<vmem>>, vector<16xi32>,
    tpu.vector_store %arg12[%swap3A_326], %add3A_325 {strides = array<i32>} : memref<128xi32, #tpu.memory_space<vmem>>, vector<16xi32>,
    %sub3A_328 = arith.constant 1 : i32
    %sub3A_329 = vector.broadcast %sub3A_328 : i32 to vector<16xi32>
    %sub3A_330 = arith.subi %broadcast_in_dim3A_236, %sub3A_329 : vector<16xi32>
    %swap3A_331 = arith.constant 112 : index
    %swap3A_332 = tpu.vector_load %arg10[%swap3A_331] {strides = array<i32>} : memref<128xi32, #tpu.memory_space<vmem>>, vector<16xi32>,
    tpu.vector_store %arg10[%swap3A_331], %sub3A_330 {strides = array<i32>} : memref<128xi32, #tpu.memory_space<vmem>>, vector<16xi32>,
    %swap3A_333 = arith.constant 112 : index
    %swap3A_334 = tpu.vector_load %arg11[%swap3A_333] {strides = array<i32>} : memref<128xi32, #tpu.memory_space<vmem>>, vector<16xi32>,
    tpu.vector_store %arg11[%swap3A_333], %broadcast_in_dim3A_236 {strides = array<i32>} : memref<128xi32, #tpu.memory_space<vmem>>, vector<16xi32>,
    %mul3A_335 = arith.constant 147456 : i32
    %mul3A_336 = arith.muli %add3A_195, %mul3A_335 : i32
    %add3A_337 = vector.broadcast %mul3A_336 : i32 to vector<16xi32>
    %add3A_338 = arith.addi %broadcast_in_dim3A_236, %add3A_337 : vector<16xi32>
    %swap3A_339 = arith.constant 112 : index
    %swap3A_340 = tpu.vector_load %arg12[%swap3A_339] {strides = array<i32>} : memref<128xi32, #tpu.memory_space<vmem>>, vector<16xi32>,
    tpu.vector_store %arg12[%swap3A_339], %add3A_338 {strides = array<i32>} : memref<128xi32, #tpu.memory_space<vmem>>, vector<16xi32>,
    %mul3A_341 = arith.constant 9216 : i32
    %mul3A_342 = arith.muli %arg1, %mul3A_341 : i32
    %broadcast_in_dim3A_343 = arith.constant 0 : i32
    %broadcast_in_dim3A_344 = vector.broadcast %broadcast_in_dim3A_343 : i32 to vector<16xi32>
    %broadcast_in_dim3A_345 = arith.constant 0 : i32
    %broadcast_in_dim3A_346 = vector.broadcast %broadcast_in_dim3A_345 : i32 to vector<16xi32>
    %scan3A_347 = arith.constant 0 : i32
    %scan3A_348 = arith.constant 576 : i32
    %scan3A_349 = arith.addi %scan3A_347, %scan3A_348 : i32
    %scan3A_350 = arith.constant 1 : i32
    %scan3A_351:2 = scf.for %scan3A_397 = %scan3A_347 to %scan3A_349 step %scan3A_350 iter_args(%scan3A_398 = %broadcast_in_dim3A_344, %scan3A_399 = %broadcast_in_dim3A_346) -> (vector<16xi32>, vector<16xi32>)  : i32 {
      %jit3A = arith.constant 8 : i32
      %div3A = arith.divsi %scan3A_397, %jit3A : i32
      %sign3A = arith.constant 0 : i32
      %sign3A_400 = arith.cmpi sgt, %scan3A_397, %sign3A : i32
      %sign3A_401 = arith.extui %sign3A_400 : i1 to i32
      %sign3A_402 = arith.constant 0 : i32
      %sign3A_403 = arith.cmpi slt, %scan3A_397, %sign3A_402 : i32
      %sign3A_404 = arith.extui %sign3A_403 : i1 to i32
      %sign3A_405 = arith.subi %sign3A_401, %sign3A_404 : i32
      %sign3A_406 = arith.constant 0 : i32
      %sign3A_407 = arith.cmpi sgt, %jit3A, %sign3A_406 : i32
      %sign3A_408 = arith.extui %sign3A_407 : i1 to i32
      %sign3A_409 = arith.constant 0 : i32
      %sign3A_410 = arith.cmpi slt, %jit3A, %sign3A_409 : i32
      %sign3A_411 = arith.extui %sign3A_410 : i1 to i32
      %sign3A_412 = arith.subi %sign3A_408, %sign3A_411 : i32
      %ne3A = arith.cmpi ne, %sign3A_405, %sign3A_412 : i32
      %rem3A = arith.remsi %scan3A_397, %jit3A : i32
      %ne3A_413 = arith.constant 0 : i32
      %ne3A_414 = arith.cmpi ne, %rem3A, %ne3A_413 : i32
      %and3A = arith.andi %ne3A, %ne3A_414 : i1
      %sub3A_415 = arith.constant 1 : i32
      %sub3A_416 = arith.subi %div3A, %sub3A_415 : i32
      %select_n3A = arith.select %and3A, %sub3A_416, %div3A : i32
      %jit3A_417 = arith.constant 8 : i32
      %eq3A = arith.constant 0 : i32
      %eq3A_418 = arith.cmpi eq, %jit3A_417, %eq3A : i32
      %jit3A_419 = arith.constant 1 : i32
      %select_n3A_420 = arith.select %eq3A_418, %jit3A_419, %jit3A_417 : i32
      %rem3A_421 = arith.remsi %scan3A_397, %select_n3A_420 : i32
      %ne3A_422 = arith.constant 0 : i32
      %ne3A_423 = arith.cmpi ne, %rem3A_421, %ne3A_422 : i32
      %lt3A = arith.constant 0 : i32
      %lt3A_424 = arith.cmpi slt, %rem3A_421, %lt3A : i32
      %lt3A_425 = arith.constant 0 : i32
      %lt3A_426 = arith.cmpi slt, %select_n3A_420, %lt3A_425 : i32
      %ne3A_427 = arith.xori %lt3A_424, %lt3A_426 : i1
      %and3A_428 = arith.andi %ne3A_427, %ne3A_423 : i1
      %add3A_429 = arith.addi %rem3A_421, %select_n3A_420 : i32
      %select_n3A_430 = arith.select %and3A_428, %add3A_429, %rem3A_421 : i32
      %mul3A_431 = arith.constant 16 : i32
      %mul3A_432 = arith.muli %select_n3A_430, %mul3A_431 : i32
      %get3A_433 = arith.index_cast %select_n3A : i32 to index
      %get3A_434 = arith.index_cast %mul3A_432 : i32 to index
      %get3A_435 = tpu.vector_load %arg8[%get3A_433, %get3A_434] {strides = array<i32>} : memref<72x128xi32, #tpu.memory_space<vmem>>, vector<16xi32>,
      %ge3A = arith.cmpi sge, %get3A_435, %get3A_231 : vector<16xi32>
      %reduce_or3A = arith.constant 1.000000e+00 : f32
      %reduce_or3A_436 = arith.constant 0.000000e+00 : f32
      %reduce_or3A_437 = vector.broadcast %reduce_or3A : f32 to vector<16xf32>
      %reduce_or3A_438 = vector.broadcast %reduce_or3A_436 : f32 to vector<16xf32>
      %reduce_or3A_439 = arith.select %ge3A, %reduce_or3A_437, %reduce_or3A_438 : vector<16xi1>, vector<16xf32>
      %reduce_or3A_440 = arith.constant true
      %reduce_or3A_441 = vector.broadcast %reduce_or3A_440 : i1 to vector<16xi1>
      %reduce_or3A_442 = tpu.scan <max>, %reduce_or3A_439 masked %reduce_or3A_441 : vector<16xf32>, vector<16xi1> -> vector<16xf32>
      %reduce_or3A_443 = vector.extract %reduce_or3A_442[15] : f32 from vector<16xf32>
      %reduce_or3A_444 = arith.constant 0.000000e+00 : f32
      %reduce_or3A_445 = arith.cmpf ogt, %reduce_or3A_443, %reduce_or3A_444 : f32
      %convert_element_type3A = arith.extui %reduce_or3A_445 : i1 to i32
      %cond3A = arith.constant 0 : i32
      %cond3A_446 = arith.cmpi ne, %convert_element_type3A, %cond3A : i32
      %cond3A_447:2 = scf.if %cond3A_446 -> (vector<16xi32>, vector<16xi32>) {
        %gt3A = arith.cmpi sgt, %get3A_435, %get3A_231 : vector<16xi32>
        %eq3A_448 = arith.cmpi eq, %get3A_435, %get3A_231 : vector<16xi32>
        %convert_element_type3A_449 = arith.extui %eq3A_448 : vector<16xi1> to vector<16xi32>
        %broadcast_in_dim3A_450 = arith.constant true
        %broadcast_in_dim3A_451 = vector.broadcast %broadcast_in_dim3A_450 : i1 to vector<16xi1>
        %masked_cumsum3A = tpu.scan <sum>, %convert_element_type3A_449 masked %broadcast_in_dim3A_451 : vector<16xi32>, vector<16xi1> -> vector<16xi32>
        %add3A_452 = arith.addi %scan3A_399, %masked_cumsum3A : vector<16xi32>
        %sub3A_453 = arith.constant 1 : i32
        %sub3A_454 = vector.broadcast %sub3A_453 : i32 to vector<16xi32>
        %sub3A_455 = arith.subi %add3A_452, %sub3A_454 : vector<16xi32>
        %lt3A_456 = arith.cmpi slt, %sub3A_455, %gather3A_234 : vector<16xi32>
        %and3A_457 = arith.andi %eq3A_448, %lt3A_456 : vector<16xi1>
        %or3A = arith.ori %gt3A, %and3A_457 : vector<16xi1>
        %mul3A_458 = arith.constant 16 : i32
        %mul3A_459 = arith.muli %scan3A_397, %mul3A_458 : i32
        %add3A_460 = arith.addi %mul3A_342, %mul3A_459 : i32
        %add3A_461 = vector.broadcast %add3A_460 : i32 to vector<16xi32>
        %add3A_462 = arith.addi %add3A_461, %iota3A : vector<16xi32>
        %jit3A_463 = arith.constant 384 : i32
        %div3A_464 = vector.broadcast %jit3A_463 : i32 to vector<16xi32>
        %div3A_465 = arith.divsi %add3A_462, %div3A_464 : vector<16xi32>
        %sign3A_466 = arith.constant 0 : i32
        %sign3A_467 = vector.broadcast %sign3A_466 : i32 to vector<16xi32>
        %sign3A_468 = arith.cmpi sgt, %add3A_462, %sign3A_467 : vector<16xi32>
        %sign3A_469 = arith.extui %sign3A_468 : vector<16xi1> to vector<16xi32>
        %sign3A_470 = arith.constant 0 : i32
        %sign3A_471 = vector.broadcast %sign3A_470 : i32 to vector<16xi32>
        %sign3A_472 = arith.cmpi slt, %add3A_462, %sign3A_471 : vector<16xi32>
        %sign3A_473 = arith.extui %sign3A_472 : vector<16xi1> to vector<16xi32>
        %sign3A_474 = arith.subi %sign3A_469, %sign3A_473 : vector<16xi32>
        %sign3A_475 = arith.constant 0 : i32
        %sign3A_476 = arith.cmpi sgt, %jit3A_463, %sign3A_475 : i32
        %sign3A_477 = arith.extui %sign3A_476 : i1 to i32
        %sign3A_478 = arith.constant 0 : i32
        %sign3A_479 = arith.cmpi slt, %jit3A_463, %sign3A_478 : i32
        %sign3A_480 = arith.extui %sign3A_479 : i1 to i32
        %sign3A_481 = arith.subi %sign3A_477, %sign3A_480 : i32
        %ne3A_482 = vector.broadcast %sign3A_481 : i32 to vector<16xi32>
        %ne3A_483 = arith.cmpi ne, %sign3A_474, %ne3A_482 : vector<16xi32>
        %rem3A_484 = vector.broadcast %jit3A_463 : i32 to vector<16xi32>
        %rem3A_485 = arith.remsi %add3A_462, %rem3A_484 : vector<16xi32>
        %ne3A_486 = arith.constant 0 : i32
        %ne3A_487 = vector.broadcast %ne3A_486 : i32 to vector<16xi32>
        %ne3A_488 = arith.cmpi ne, %rem3A_485, %ne3A_487 : vector<16xi32>
        %and3A_489 = arith.andi %ne3A_483, %ne3A_488 : vector<16xi1>
        %sub3A_490 = arith.constant 1 : i32
        %sub3A_491 = vector.broadcast %sub3A_490 : i32 to vector<16xi32>
        %sub3A_492 = arith.subi %div3A_465, %sub3A_491 : vector<16xi32>
        %select_n3A_493 = arith.select %and3A_489, %sub3A_492, %div3A_465 : vector<16xi1>, vector<16xi32>
        %mul3A_494 = arith.constant 384 : i32
        %mul3A_495 = vector.broadcast %mul3A_494 : i32 to vector<16xi32>
        %mul3A_496 = arith.muli %select_n3A_493, %mul3A_495 : vector<16xi32>
        %sub3A_497 = arith.subi %add3A_462, %mul3A_496 : vector<16xi32>
        %sub3A_498 = arith.constant 3 : i32
        %sub3A_499 = vector.broadcast %sub3A_498 : i32 to vector<16xi32>
        %sub3A_500 = arith.subi %select_n3A_493, %sub3A_499 : vector<16xi32>
        %mul3A_501 = arith.constant 378 : i32
        %mul3A_502 = vector.broadcast %mul3A_501 : i32 to vector<16xi32>
        %mul3A_503 = arith.muli %sub3A_500, %mul3A_502 : vector<16xi32>
        %sub3A_504 = arith.constant 3 : i32
        %sub3A_505 = vector.broadcast %sub3A_504 : i32 to vector<16xi32>
        %sub3A_506 = arith.subi %sub3A_497, %sub3A_505 : vector<16xi32>
        %add3A_507 = arith.addi %mul3A_503, %sub3A_506 : vector<16xi32>
        %convert_element_type3A_508 = arith.extui %or3A : vector<16xi1> to vector<16xi32>
        %broadcast_in_dim3A_509 = arith.constant true
        %broadcast_in_dim3A_510 = vector.broadcast %broadcast_in_dim3A_509 : i1 to vector<16xi1>
        %masked_cumsum3A_511 = tpu.scan <sum>, %convert_element_type3A_508 masked %broadcast_in_dim3A_510 : vector<16xi32>, vector<16xi1> -> vector<16xi32>
        %add3A_512 = arith.addi %scan3A_398, %masked_cumsum3A_511 : vector<16xi32>
        %sub3A_513 = arith.constant 1 : i32
        %sub3A_514 = vector.broadcast %sub3A_513 : i32 to vector<16xi32>
        %sub3A_515 = arith.subi %add3A_512, %sub3A_514 : vector<16xi32>
        %jit3A_516 = arith.constant 0 : i32
        %jit3A_517 = arith.constant 127 : i32
        %max3A = vector.broadcast %jit3A_516 : i32 to vector<16xi32>
        %max3A_518 = arith.maxsi %max3A, %sub3A_515 : vector<16xi32>
        %min3A = vector.broadcast %jit3A_517 : i32 to vector<16xi32>
        %min3A_519 = arith.minsi %min3A, %max3A_518 : vector<16xi32>
        tpu.vector_store_idx %arg10[%min3A_519], %get3A_435 masked %or3A : memref<128xi32, #tpu.memory_space<vmem>>[vector<16xi32>], vector<16xi32>, vector<16xi1>
        tpu.vector_store_idx %arg11[%min3A_519], %add3A_507 masked %or3A : memref<128xi32, #tpu.memory_space<vmem>>[vector<16xi32>], vector<16xi32>, vector<16xi1>
        %mul3A_520 = arith.constant 147456 : i32
        %mul3A_521 = arith.muli %add3A_195, %mul3A_520 : i32
        %add3A_522 = vector.broadcast %mul3A_521 : i32 to vector<16xi32>
        %add3A_523 = arith.addi %add3A_462, %add3A_522 : vector<16xi32>
        tpu.vector_store_idx %arg12[%min3A_519], %add3A_523 masked %or3A : memref<128xi32, #tpu.memory_space<vmem>>[vector<16xi32>], vector<16xi32>, vector<16xi1>
        %all_reduce_population_count3A = tpu.all_reduce %or3A {dim = 0 : i64, kind = #tpu.reduction_kind<sum>} : vector<16xi1> -> vector<16xi32>
        %add3A_524 = arith.addi %scan3A_398, %all_reduce_population_count3A : vector<16xi32>
        %all_reduce_population_count3A_525 = tpu.all_reduce %eq3A_448 {dim = 0 : i64, kind = #tpu.reduction_kind<sum>} : vector<16xi1> -> vector<16xi32>
        %add3A_526 = arith.addi %scan3A_399, %all_reduce_population_count3A_525 : vector<16xi32>
        scf.yield %add3A_524, %add3A_526 : vector<16xi32>, vector<16xi32>
      } else {
        scf.yield %scan3A_398, %scan3A_399 : vector<16xi32>, vector<16xi32>
      }
      scf.yield %cond3A_447#0, %cond3A_447#1 : vector<16xi32>, vector<16xi32>
    }
    %scan3A_352 = arith.constant 576 : i32
    %dma_start3A_353 = arith.constant 0 : i32
    %dma_start3A_354 = arith.constant 0 : i32
    %dma_start3A_355 = tpu.memref_slice %arg4[%dma_start3A_353, %dma_start3A_354] : memref<589824x16xf32, #tpu.memory_space<hbm>> -> memref<589824x16xf32, #tpu.memory_space<hbm>>
    tpu.enqueue_indirect_dma source(%dma_start3A_355 : memref<589824x16xf32, #tpu.memory_space<hbm>>) target(%arg13 : memref<128x16xf32, #tpu.memory_space<vmem>>) offsets(%arg12 : memref<128xi32, #tpu.memory_space<vmem>>) semaphore(%arg14 : memref<!tpu.dma_semaphore, #tpu.memory_space<semaphore_mem>>)
    %dma_wait3A_356 = arith.constant 0 : i32
    %dma_wait3A_357 = arith.constant 0 : i32
    %dma_wait3A_358 = tpu.memref_slice %arg4[%dma_wait3A_356, %dma_wait3A_357] : memref<589824x16xf32, #tpu.memory_space<hbm>> -> memref<589824x16xf32, #tpu.memory_space<hbm>>
    tpu.wait_indirect_dma semaphore(%arg14 : memref<!tpu.dma_semaphore, #tpu.memory_space<semaphore_mem>>) src(%dma_wait3A_358 : memref<589824x16xf32, #tpu.memory_space<hbm>>) dst(%arg13 : memref<128x16xf32, #tpu.memory_space<vmem>>)
    %dma_start3A_359 = arith.constant 0 : i32
    %dma_start3A_360 = tpu.memref_slice %arg5[%add3A_195, %arg1, %dma_start3A_359] : memref<4x16x128xi32, #tpu.memory_space<hbm>> -> memref<1x1x128xi32, #tpu.memory_space<hbm>>
    %dma_start3A_361 = tpu.memref_squeeze %dma_start3A_360 : memref<1x1x128xi32, #tpu.memory_space<hbm>> -> memref<128xi32, #tpu.memory_space<hbm>>
    %dma_start3A_362 = arith.constant 0 : i32
    %dma_start3A_363 = tpu.memref_slice %arg5[%add3A_195, %arg1, %dma_start3A_362] : memref<4x16x128xi32, #tpu.memory_space<hbm>> -> memref<1x1x128xi32, #tpu.memory_space<hbm>>
    %dma_start3A_364 = tpu.memref_squeeze %dma_start3A_363 : memref<1x1x128xi32, #tpu.memory_space<hbm>> -> memref<128xi32, #tpu.memory_space<hbm>>
    tpu.enqueue_dma source(%arg10 : memref<128xi32, #tpu.memory_space<vmem>>) target(%dma_start3A_364 : memref<128xi32, #tpu.memory_space<hbm>>) target_semaphore(%arg14 : memref<!tpu.dma_semaphore, #tpu.memory_space<semaphore_mem>>)
    %dma_start3A_365 = arith.constant 0 : i32
    %dma_start3A_366 = tpu.memref_slice %arg6[%add3A_195, %arg1, %dma_start3A_365] : memref<4x16x128xi32, #tpu.memory_space<hbm>> -> memref<1x1x128xi32, #tpu.memory_space<hbm>>
    %dma_start3A_367 = tpu.memref_squeeze %dma_start3A_366 : memref<1x1x128xi32, #tpu.memory_space<hbm>> -> memref<128xi32, #tpu.memory_space<hbm>>
    %dma_start3A_368 = arith.constant 0 : i32
    %dma_start3A_369 = tpu.memref_slice %arg6[%add3A_195, %arg1, %dma_start3A_368] : memref<4x16x128xi32, #tpu.memory_space<hbm>> -> memref<1x1x128xi32, #tpu.memory_space<hbm>>
    %dma_start3A_370 = tpu.memref_squeeze %dma_start3A_369 : memref<1x1x128xi32, #tpu.memory_space<hbm>> -> memref<128xi32, #tpu.memory_space<hbm>>
    tpu.enqueue_dma source(%arg11 : memref<128xi32, #tpu.memory_space<vmem>>) target(%dma_start3A_370 : memref<128xi32, #tpu.memory_space<hbm>>) target_semaphore(%arg14 : memref<!tpu.dma_semaphore, #tpu.memory_space<semaphore_mem>>)
    %mul3A_371 = arith.constant 128 : i32
    %mul3A_372 = arith.muli %arg1, %mul3A_371 : i32
    %dma_start3A_373 = arith.constant 0 : i32
    %dma_start3A_374 = tpu.memref_slice %arg7[%add3A_195, %mul3A_372, %dma_start3A_373] : memref<4x2048x16xf32, #tpu.memory_space<hbm>> -> memref<1x128x16xf32, #tpu.memory_space<hbm>>
    %dma_start3A_375 = tpu.memref_squeeze %dma_start3A_374 : memref<1x128x16xf32, #tpu.memory_space<hbm>> -> memref<128x16xf32, #tpu.memory_space<hbm>>
    %dma_start3A_376 = arith.constant 0 : i32
    %dma_start3A_377 = tpu.memref_slice %arg7[%add3A_195, %mul3A_372, %dma_start3A_376] : memref<4x2048x16xf32, #tpu.memory_space<hbm>> -> memref<1x128x16xf32, #tpu.memory_space<hbm>>
    %dma_start3A_378 = tpu.memref_squeeze %dma_start3A_377 : memref<1x128x16xf32, #tpu.memory_space<hbm>> -> memref<128x16xf32, #tpu.memory_space<hbm>>
    tpu.enqueue_dma source(%arg13 : memref<128x16xf32, #tpu.memory_space<vmem>>) target(%dma_start3A_378 : memref<128x16xf32, #tpu.memory_space<hbm>>) target_semaphore(%arg14 : memref<!tpu.dma_semaphore, #tpu.memory_space<semaphore_mem>>)
    %dma_wait3A_379 = arith.constant 0 : i32
    %dma_wait3A_380 = tpu.memref_slice %arg5[%add3A_195, %arg1, %dma_wait3A_379] : memref<4x16x128xi32, #tpu.memory_space<hbm>> -> memref<1x1x128xi32, #tpu.memory_space<hbm>>
    %dma_wait3A_381 = tpu.memref_squeeze %dma_wait3A_380 : memref<1x1x128xi32, #tpu.memory_space<hbm>> -> memref<128xi32, #tpu.memory_space<hbm>>
    %dma_wait3A_382 = arith.constant 0 : i32
    %dma_wait3A_383 = tpu.memref_slice %arg5[%add3A_195, %arg1, %dma_wait3A_382] : memref<4x16x128xi32, #tpu.memory_space<hbm>> -> memref<1x1x128xi32, #tpu.memory_space<hbm>>
    %dma_wait3A_384 = tpu.memref_squeeze %dma_wait3A_383 : memref<1x1x128xi32, #tpu.memory_space<hbm>> -> memref<128xi32, #tpu.memory_space<hbm>>
    tpu.wait_dma2 semaphore(%arg14 : memref<!tpu.dma_semaphore, #tpu.memory_space<semaphore_mem>>) src(%arg10 : memref<128xi32, #tpu.memory_space<vmem>>) dst(%dma_wait3A_384 : memref<128xi32, #tpu.memory_space<hbm>>)
    %dma_wait3A_385 = arith.constant 0 : i32
    %dma_wait3A_386 = tpu.memref_slice %arg6[%add3A_195, %arg1, %dma_wait3A_385] : memref<4x16x128xi32, #tpu.memory_space<hbm>> -> memref<1x1x128xi32, #tpu.memory_space<hbm>>
    %dma_wait3A_387 = tpu.memref_squeeze %dma_wait3A_386 : memref<1x1x128xi32, #tpu.memory_space<hbm>> -> memref<128xi32, #tpu.memory_space<hbm>>
    %dma_wait3A_388 = arith.constant 0 : i32
    %dma_wait3A_389 = tpu.memref_slice %arg6[%add3A_195, %arg1, %dma_wait3A_388] : memref<4x16x128xi32, #tpu.memory_space<hbm>> -> memref<1x1x128xi32, #tpu.memory_space<hbm>>
    %dma_wait3A_390 = tpu.memref_squeeze %dma_wait3A_389 : memref<1x1x128xi32, #tpu.memory_space<hbm>> -> memref<128xi32, #tpu.memory_space<hbm>>
    tpu.wait_dma2 semaphore(%arg14 : memref<!tpu.dma_semaphore, #tpu.memory_space<semaphore_mem>>) src(%arg11 : memref<128xi32, #tpu.memory_space<vmem>>) dst(%dma_wait3A_390 : memref<128xi32, #tpu.memory_space<hbm>>)
    %dma_wait3A_391 = arith.constant 0 : i32
    %dma_wait3A_392 = tpu.memref_slice %arg7[%add3A_195, %mul3A_372, %dma_wait3A_391] : memref<4x2048x16xf32, #tpu.memory_space<hbm>> -> memref<1x128x16xf32, #tpu.memory_space<hbm>>
    %dma_wait3A_393 = tpu.memref_squeeze %dma_wait3A_392 : memref<1x128x16xf32, #tpu.memory_space<hbm>> -> memref<128x16xf32, #tpu.memory_space<hbm>>
    %dma_wait3A_394 = arith.constant 0 : i32
    %dma_wait3A_395 = tpu.memref_slice %arg7[%add3A_195, %mul3A_372, %dma_wait3A_394] : memref<4x2048x16xf32, #tpu.memory_space<hbm>> -> memref<1x128x16xf32, #tpu.memory_space<hbm>>
    %dma_wait3A_396 = tpu.memref_squeeze %dma_wait3A_395 : memref<1x128x16xf32, #tpu.memory_space<hbm>> -> memref<128x16xf32, #tpu.memory_space<hbm>>
    tpu.wait_dma2 semaphore(%arg14 : memref<!tpu.dma_semaphore, #tpu.memory_space<semaphore_mem>>) src(%arg13 : memref<128x16xf32, #tpu.memory_space<vmem>>) dst(%dma_wait3A_396 : memref<128x16xf32, #tpu.memory_space<hbm>>)
    return
  }
}

module attributes {stable_mosaic.version = 14 : i64} {
  func.func @_tc1_kernel(%arg0: i32, %arg1: i32, %arg2: memref<1x96x8x384xf32, #tpu.memory_space<vmem>>, %arg3: memref<16x96xf32, #tpu.memory_space<vmem>>, %arg4: memref<16xf32, #tpu.memory_space<vmem>>, %arg5: memref<1x8x384xf32, #tpu.memory_space<vmem>>, %arg6: memref<3072x16xf32, #tpu.memory_space<vmem>>, %arg7: memref<1x1x24x128xi32, #tpu.memory_space<vmem>>, %arg8: memref<1x8x16xi32, #tpu.memory_space<vmem>>, %arg9: memref<1152x128xi32, #tpu.memory_space<vmem>>) attributes {dimension_semantics = [#tpu.dimension_semantics<parallel>, #tpu.dimension_semantics<arbitrary>], iteration_bounds = array<i64: 4, 48>, scalar_prefetch = 0 : i64, scratch_operands = 1 : i64, tpu.core_type = #tpu.core_type<tc>, window_params = [{transform_indices = @transform_0, window_bounds = array<i64: 1, 96, 8, 384>}, {pipeline_mode = #tpu.pipeline_mode<synchronous>, transform_indices = @transform_1, window_bounds = array<i64: 16, 96>}, {pipeline_mode = #tpu.pipeline_mode<synchronous>, transform_indices = @transform_2, window_bounds = array<i64: 16>}, {transform_indices = @transform_3, window_bounds = array<i64: 1, 8, 384>}, {transform_indices = @transform_4, window_bounds = array<i64: 3072, 16>}, {transform_indices = @transform_5, window_bounds = array<i64: 1, 1, 24, 128>}, {transform_indices = @transform_6, window_bounds = array<i64: 1, 8, 16>}]} {
    %get3A = arith.constant 0 : index
    %get3A_0 = arith.constant 0 : index
    %get3A_1 = arith.constant 0 : index
    %get3A_2 = arith.constant 0 : index
    %get3A_3 = vector.load %arg2[%get3A, %get3A_0, %get3A_1, %get3A_2] : memref<1x96x8x384xf32, #tpu.memory_space<vmem>>, vector<1x96x8x384xf32>
    %get3A_4 = vector.shape_cast %get3A_3 : vector<1x96x8x384xf32> to vector<96x8x384xf32>
    %reshape3A = vector.shape_cast %get3A_4 : vector<96x8x384xf32> to vector<96x3072xf32>
    %get3A_5 = arith.constant 0 : index
    %get3A_6 = arith.constant 0 : index
    %get3A_7 = vector.load %arg3[%get3A_5, %get3A_6] : memref<16x96xf32, #tpu.memory_space<vmem>>, vector<16x96xf32>
    %dot_general3A = arith.constant dense<0.000000e+00> : vector<3072x16xf32>
    %dot_general3A_8 = tpu.matmul %reshape3A, %get3A_7, %dot_general3A {dimension_numbers = #tpu.dot_dimension_numbers<[0], [1], [1], [0], [0, 1, 1, 0], [], []>, transpose_lhs_hint = false} : vector<96x3072xf32>, vector<16x96xf32>, vector<3072x16xf32> -> vector<3072x16xf32>
    %get3A_9 = arith.constant 0 : index
    %get3A_10 = vector.load %arg4[%get3A_9] : memref<16xf32, #tpu.memory_space<vmem>>, vector<16xf32>
    %reshape3A_11 = vector.shape_cast %get3A_10 : vector<16xf32> to vector<1x16xf32>
    %add3A = vector.broadcast %reshape3A_11 : vector<1x16xf32> to vector<3072x16xf32>
    %add3A_12 = arith.addf %dot_general3A_8, %add3A : vector<3072x16xf32>
    %swap3A = arith.constant 0 : index
    %swap3A_13 = arith.constant 0 : index
    %swap3A_14 = vector.load %arg6[%swap3A, %swap3A_13] : memref<3072x16xf32, #tpu.memory_space<vmem>>, vector<3072x16xf32>
    tpu.vector_store %arg6[%swap3A, %swap3A_13], %add3A_12 {strides = array<i32>} : memref<3072x16xf32, #tpu.memory_space<vmem>>, vector<3072x16xf32>,
    %get3A_15 = arith.constant 0 : index
    %get3A_16 = arith.constant 0 : index
    %get3A_17 = vector.load %arg3[%get3A_15, %get3A_16] : memref<16x96xf32, #tpu.memory_space<vmem>>, vector<16x96xf32>
    %dot_general3A_18 = arith.constant dense<0.000000e+00> : vector<16x3072xf32>
    %dot_general3A_19 = tpu.matmul %get3A_17, %reshape3A, %dot_general3A_18 {dimension_numbers = #tpu.dot_dimension_numbers<[1], [0], [0], [1], [0, 0, 1, 1], [], []>, transpose_lhs_hint = false} : vector<16x96xf32>, vector<96x3072xf32>, vector<16x3072xf32> -> vector<16x3072xf32>
    %get3A_20 = arith.constant 0 : index
    %get3A_21 = vector.load %arg4[%get3A_20] : memref<16xf32, #tpu.memory_space<vmem>>, vector<16xf32>
    %reshape3A_22 = vector.shape_cast %get3A_21 : vector<16xf32> to vector<16x1xf32>
    %add3A_23 = vector.broadcast %reshape3A_22 : vector<16x1xf32> to vector<16x3072xf32>
    %add3A_24 = arith.addf %dot_general3A_19, %add3A_23 : vector<16x3072xf32>
    %mul3A = arith.mulf %add3A_24, %add3A_24 : vector<16x3072xf32>
    %slice3A = vector.extract_strided_slice %mul3A {offsets = [0, 0], sizes = [8, 3072], strides = [1, 1]} : vector<16x3072xf32> to vector<8x3072xf32>
    %slice3A_25 = vector.extract_strided_slice %mul3A {offsets = [8, 0], sizes = [8, 3072], strides = [1, 1]} : vector<16x3072xf32> to vector<8x3072xf32>
    %add3A_26 = arith.addf %slice3A, %slice3A_25 : vector<8x3072xf32>
    %slice3A_27 = vector.extract_strided_slice %add3A_26 {offsets = [0, 0], sizes = [4, 3072], strides = [1, 1]} : vector<8x3072xf32> to vector<4x3072xf32>
    %slice3A_28 = vector.extract_strided_slice %add3A_26 {offsets = [4, 0], sizes = [4, 3072], strides = [1, 1]} : vector<8x3072xf32> to vector<4x3072xf32>
    %add3A_29 = arith.addf %slice3A_27, %slice3A_28 : vector<4x3072xf32>
    %slice3A_30 = vector.extract_strided_slice %add3A_29 {offsets = [0, 0], sizes = [2, 3072], strides = [1, 1]} : vector<4x3072xf32> to vector<2x3072xf32>
    %slice3A_31 = vector.extract_strided_slice %add3A_29 {offsets = [2, 0], sizes = [2, 3072], strides = [1, 1]} : vector<4x3072xf32> to vector<2x3072xf32>
    %add3A_32 = arith.addf %slice3A_30, %slice3A_31 : vector<2x3072xf32>
    %slice3A_33 = vector.extract_strided_slice %add3A_32 {offsets = [0, 0], sizes = [1, 3072], strides = [1, 1]} : vector<2x3072xf32> to vector<1x3072xf32>
    %slice3A_34 = vector.extract_strided_slice %add3A_32 {offsets = [1, 0], sizes = [1, 3072], strides = [1, 1]} : vector<2x3072xf32> to vector<1x3072xf32>
    %add3A_35 = arith.addf %slice3A_33, %slice3A_34 : vector<1x3072xf32>
    %reshape3A_36 = vector.shape_cast %add3A_35 : vector<1x3072xf32> to vector<8x384xf32>
    %swap3A_37 = arith.constant 0 : index
    %swap3A_38 = arith.constant 0 : index
    %swap3A_39 = arith.constant 0 : index
    %swap3A_40 = vector.load %arg5[%swap3A_37, %swap3A_38, %swap3A_39] : memref<1x8x384xf32, #tpu.memory_space<vmem>>, vector<1x8x384xf32>
    %swap3A_41 = vector.shape_cast %swap3A_40 : vector<1x8x384xf32> to vector<8x384xf32>
    %swap3A_42 = vector.shape_cast %reshape3A_36 : vector<8x384xf32> to vector<1x8x384xf32>
    tpu.vector_store %arg5[%swap3A_37, %swap3A_38, %swap3A_39], %swap3A_42 {strides = array<i32>} : memref<1x8x384xf32, #tpu.memory_space<vmem>>, vector<1x8x384xf32>,
    %reshape3A_43 = vector.shape_cast %add3A_35 : vector<1x3072xf32> to vector<24x128xf32>
    %bitcast_convert_type3A = tpu.bitcast %reshape3A_43 : vector<24x128xf32> -> vector<24x128xi32>
    %iota3A = tpu.iota {dimensions = array<i32: 0>} : vector<24x128xi32>
    %iota3A_44 = tpu.iota {dimensions = array<i32: 1>} : vector<24x128xi32>
    %mul3A_45 = arith.constant 8 : i32
    %mul3A_46 = arith.muli %mul3A_45, %arg1 : i32
    %jit3A = arith.constant 3 : i32
    %div3A = vector.broadcast %jit3A : i32 to vector<24x128xi32>
    %div3A_47 = arith.divsi %iota3A, %div3A : vector<24x128xi32>
    %sign3A = arith.constant 0 : i32
    %sign3A_48 = vector.broadcast %sign3A : i32 to vector<24x128xi32>
    %sign3A_49 = arith.cmpi sgt, %iota3A, %sign3A_48 : vector<24x128xi32>
    %sign3A_50 = arith.extui %sign3A_49 : vector<24x128xi1> to vector<24x128xi32>
    %sign3A_51 = arith.constant 0 : i32
    %sign3A_52 = vector.broadcast %sign3A_51 : i32 to vector<24x128xi32>
    %sign3A_53 = arith.cmpi slt, %iota3A, %sign3A_52 : vector<24x128xi32>
    %sign3A_54 = arith.extui %sign3A_53 : vector<24x128xi1> to vector<24x128xi32>
    %sign3A_55 = arith.subi %sign3A_50, %sign3A_54 : vector<24x128xi32>
    %sign3A_56 = arith.constant 0 : i32
    %sign3A_57 = arith.cmpi sgt, %jit3A, %sign3A_56 : i32
    %sign3A_58 = arith.extui %sign3A_57 : i1 to i32
    %sign3A_59 = arith.constant 0 : i32
    %sign3A_60 = arith.cmpi slt, %jit3A, %sign3A_59 : i32
    %sign3A_61 = arith.extui %sign3A_60 : i1 to i32
    %sign3A_62 = arith.subi %sign3A_58, %sign3A_61 : i32
    %ne3A = vector.broadcast %sign3A_62 : i32 to vector<24x128xi32>
    %ne3A_63 = arith.cmpi ne, %sign3A_55, %ne3A : vector<24x128xi32>
    %rem3A = vector.broadcast %jit3A : i32 to vector<24x128xi32>
    %rem3A_64 = arith.remsi %iota3A, %rem3A : vector<24x128xi32>
    %ne3A_65 = arith.constant 0 : i32
    %ne3A_66 = vector.broadcast %ne3A_65 : i32 to vector<24x128xi32>
    %ne3A_67 = arith.cmpi ne, %rem3A_64, %ne3A_66 : vector<24x128xi32>
    %and3A = arith.andi %ne3A_63, %ne3A_67 : vector<24x128xi1>
    %sub3A = arith.constant 1 : i32
    %sub3A_68 = vector.broadcast %sub3A : i32 to vector<24x128xi32>
    %sub3A_69 = arith.subi %div3A_47, %sub3A_68 : vector<24x128xi32>
    %select_n3A = arith.select %and3A, %sub3A_69, %div3A_47 : vector<24x128xi1>, vector<24x128xi32>
    %add3A_70 = vector.broadcast %mul3A_46 : i32 to vector<24x128xi32>
    %add3A_71 = arith.addi %add3A_70, %select_n3A : vector<24x128xi32>
    %jit3A_72 = arith.constant 3 : i32
    %eq3A = arith.constant 0 : i32
    %eq3A_73 = arith.cmpi eq, %jit3A_72, %eq3A : i32
    %jit3A_74 = arith.constant 1 : i32
    %select_n3A_75 = arith.select %eq3A_73, %jit3A_74, %jit3A_72 : i32
    %rem3A_76 = vector.broadcast %select_n3A_75 : i32 to vector<24x128xi32>
    %rem3A_77 = arith.remsi %iota3A, %rem3A_76 : vector<24x128xi32>
    %ne3A_78 = arith.constant 0 : i32
    %ne3A_79 = vector.broadcast %ne3A_78 : i32 to vector<24x128xi32>
    %ne3A_80 = arith.cmpi ne, %rem3A_77, %ne3A_79 : vector<24x128xi32>
    %lt3A = arith.constant 0 : i32
    %lt3A_81 = vector.broadcast %lt3A : i32 to vector<24x128xi32>
    %lt3A_82 = arith.cmpi slt, %rem3A_77, %lt3A_81 : vector<24x128xi32>
    %lt3A_83 = arith.constant 0 : i32
    %lt3A_84 = arith.cmpi slt, %select_n3A_75, %lt3A_83 : i32
    %ne3A_85 = vector.broadcast %lt3A_84 : i1 to vector<24x128xi1>
    %ne3A_86 = vector.broadcast %ne3A_85 : vector<24x128xi1> to vector<24x128xi1>
    %ne3A_87 = arith.xori %lt3A_82, %ne3A_86 : vector<24x128xi1>
    %and3A_88 = arith.andi %ne3A_87, %ne3A_80 : vector<24x128xi1>
    %add3A_89 = vector.broadcast %select_n3A_75 : i32 to vector<24x128xi32>
    %add3A_90 = arith.addi %rem3A_77, %add3A_89 : vector<24x128xi32>
    %select_n3A_91 = arith.select %and3A_88, %add3A_90, %rem3A_77 : vector<24x128xi1>, vector<24x128xi32>
    %mul3A_92 = arith.constant 128 : i32
    %mul3A_93 = vector.broadcast %mul3A_92 : i32 to vector<24x128xi32>
    %mul3A_94 = arith.muli %select_n3A_91, %mul3A_93 : vector<24x128xi32>
    %add3A_95 = arith.addi %mul3A_94, %iota3A_44 : vector<24x128xi32>
    %ge3A = arith.constant 3 : i32
    %ge3A_96 = vector.broadcast %ge3A : i32 to vector<24x128xi32>
    %ge3A_97 = arith.cmpi sge, %add3A_71, %ge3A_96 : vector<24x128xi32>
    %lt3A_98 = arith.constant 381 : i32
    %lt3A_99 = vector.broadcast %lt3A_98 : i32 to vector<24x128xi32>
    %lt3A_100 = arith.cmpi slt, %add3A_71, %lt3A_99 : vector<24x128xi32>
    %and3A_101 = arith.andi %ge3A_97, %lt3A_100 : vector<24x128xi1>
    %ge3A_102 = arith.constant 3 : i32
    %ge3A_103 = vector.broadcast %ge3A_102 : i32 to vector<24x128xi32>
    %ge3A_104 = arith.cmpi sge, %add3A_95, %ge3A_103 : vector<24x128xi32>
    %and3A_105 = arith.andi %and3A_101, %ge3A_104 : vector<24x128xi1>
    %lt3A_106 = arith.constant 381 : i32
    %lt3A_107 = vector.broadcast %lt3A_106 : i32 to vector<24x128xi32>
    %lt3A_108 = arith.cmpi slt, %add3A_95, %lt3A_107 : vector<24x128xi32>
    %and3A_109 = arith.andi %and3A_105, %lt3A_108 : vector<24x128xi1>
    %jit3A_110 = arith.constant -1 : i32
    %broadcast_in_dim3A = vector.broadcast %jit3A_110 : i32 to vector<24x128xi32>
    %select_n3A_111 = arith.select %and3A_109, %bitcast_convert_type3A, %broadcast_in_dim3A : vector<24x128xi1>, vector<24x128xi32>
    %reshape3A_112 = vector.shape_cast %select_n3A_111 : vector<24x128xi32> to vector<1x24x128xi32>
    %swap3A_113 = arith.constant 0 : index
    %swap3A_114 = arith.constant 0 : index
    %swap3A_115 = arith.constant 0 : index
    %swap3A_116 = arith.constant 0 : index
    %swap3A_117 = vector.load %arg7[%swap3A_113, %swap3A_114, %swap3A_115, %swap3A_116] : memref<1x1x24x128xi32, #tpu.memory_space<vmem>>, vector<1x1x24x128xi32>
    %swap3A_118 = vector.shape_cast %swap3A_117 : vector<1x1x24x128xi32> to vector<1x24x128xi32>
    %swap3A_119 = vector.shape_cast %reshape3A_112 : vector<1x24x128xi32> to vector<1x1x24x128xi32>
    tpu.vector_store %arg7[%swap3A_113, %swap3A_114, %swap3A_115, %swap3A_116], %swap3A_119 {strides = array<i32>} : memref<1x1x24x128xi32, #tpu.memory_space<vmem>>, vector<1x1x24x128xi32>,
    %mul3A_120 = arith.constant 24 : i32
    %mul3A_121 = arith.muli %mul3A_120, %arg1 : i32
    %swap3A_122 = arith.index_cast %mul3A_121 : i32 to index
    %swap3A_123 = arith.constant 0 : index
    %swap3A_124 = vector.load %arg9[%swap3A_122, %swap3A_123] : memref<1152x128xi32, #tpu.memory_space<vmem>>, vector<24x128xi32>
    tpu.vector_store %arg9[%swap3A_122, %swap3A_123], %select_n3A_111 {strides = array<i32>} : memref<1152x128xi32, #tpu.memory_space<vmem>>, vector<24x128xi32>,
    %eq3A_125 = arith.constant 47 : i32
    %eq3A_126 = arith.cmpi eq, %arg1, %eq3A_125 : i32
    %convert_element_type3A = arith.extui %eq3A_126 : i1 to i32
    %cond3A = arith.constant 0 : i32
    %cond3A_127 = arith.cmpi ne, %convert_element_type3A, %cond3A : i32
    scf.if %cond3A_127 {
      %get3A_128 = arith.constant 0 : index
      %get3A_129 = arith.constant 0 : index
      %get3A_130 = vector.load %arg9[%get3A_128, %get3A_129] : memref<1152x128xi32, #tpu.memory_space<vmem>>, vector<1152x128xi32>
      %or3A = arith.constant 0 : i32
      %or3A_131 = arith.constant 1073741824 : i32
      %or3A_132 = arith.ori %or3A, %or3A_131 : i32
      %ge3A_133 = vector.broadcast %or3A_132 : i32 to vector<1152x128xi32>
      %ge3A_134 = arith.cmpi sge, %get3A_130, %ge3A_133 : vector<1152x128xi32>
      %convert_element_type3A_135 = arith.extui %ge3A_134 : vector<1152x128xi1> to vector<1152x128xi32>
      %convert_element_type3A_136 = arith.sitofp %convert_element_type3A_135 : vector<1152x128xi32> to vector<1152x128xf32>
      %reduce_sum3A = vector.shape_cast %convert_element_type3A_136 : vector<1152x128xf32> to vector<1x1152x128xf32>
      %reduce_sum3A_137 = arith.constant dense<0.000000e+00> : vector<1xf32>
      %reduce_sum3A_138 = vector.multi_reduction <add>, %reduce_sum3A, %reduce_sum3A_137 [1, 2] : vector<1x1152x128xf32> to vector<1xf32>
      %reduce_sum3A_139 = vector.shape_cast %reduce_sum3A_138 : vector<1xf32> to vector<1x1x1xf32>
      %reduce_sum3A_140 = vector.extract %reduce_sum3A_139[0, 0, 0] : f32 from vector<1x1x1xf32>
      %ge3A_141 = arith.constant 1.024000e+03 : f32
      %ge3A_142 = arith.cmpf oge, %reduce_sum3A_140, %ge3A_141 : f32
      %jit3A_143 = arith.constant 0 : i32
      %select_n3A_144 = arith.select %ge3A_142, %or3A_132, %jit3A_143 : i32
      %or3A_145 = arith.constant 536870912 : i32
      %or3A_146 = arith.ori %select_n3A_144, %or3A_145 : i32
      %ge3A_147 = vector.broadcast %or3A_146 : i32 to vector<1152x128xi32>
      %ge3A_148 = arith.cmpi sge, %get3A_130, %ge3A_147 : vector<1152x128xi32>
      %convert_element_type3A_149 = arith.extui %ge3A_148 : vector<1152x128xi1> to vector<1152x128xi32>
      %convert_element_type3A_150 = arith.sitofp %convert_element_type3A_149 : vector<1152x128xi32> to vector<1152x128xf32>
      %reduce_sum3A_151 = vector.shape_cast %convert_element_type3A_150 : vector<1152x128xf32> to vector<1x1152x128xf32>
      %reduce_sum3A_152 = arith.constant dense<0.000000e+00> : vector<1xf32>
      %reduce_sum3A_153 = vector.multi_reduction <add>, %reduce_sum3A_151, %reduce_sum3A_152 [1, 2] : vector<1x1152x128xf32> to vector<1xf32>
      %reduce_sum3A_154 = vector.shape_cast %reduce_sum3A_153 : vector<1xf32> to vector<1x1x1xf32>
      %reduce_sum3A_155 = vector.extract %reduce_sum3A_154[0, 0, 0] : f32 from vector<1x1x1xf32>
      %ge3A_156 = arith.constant 1.024000e+03 : f32
      %ge3A_157 = arith.cmpf oge, %reduce_sum3A_155, %ge3A_156 : f32
      %select_n3A_158 = arith.select %ge3A_157, %or3A_146, %select_n3A_144 : i32
      %or3A_159 = arith.constant 268435456 : i32
      %or3A_160 = arith.ori %select_n3A_158, %or3A_159 : i32
      %ge3A_161 = vector.broadcast %or3A_160 : i32 to vector<1152x128xi32>
      %ge3A_162 = arith.cmpi sge, %get3A_130, %ge3A_161 : vector<1152x128xi32>
      %convert_element_type3A_163 = arith.extui %ge3A_162 : vector<1152x128xi1> to vector<1152x128xi32>
      %convert_element_type3A_164 = arith.sitofp %convert_element_type3A_163 : vector<1152x128xi32> to vector<1152x128xf32>
      %reduce_sum3A_165 = vector.shape_cast %convert_element_type3A_164 : vector<1152x128xf32> to vector<1x1152x128xf32>
      %reduce_sum3A_166 = arith.constant dense<0.000000e+00> : vector<1xf32>
      %reduce_sum3A_167 = vector.multi_reduction <add>, %reduce_sum3A_165, %reduce_sum3A_166 [1, 2] : vector<1x1152x128xf32> to vector<1xf32>
      %reduce_sum3A_168 = vector.shape_cast %reduce_sum3A_167 : vector<1xf32> to vector<1x1x1xf32>
      %reduce_sum3A_169 = vector.extract %reduce_sum3A_168[0, 0, 0] : f32 from vector<1x1x1xf32>
      %ge3A_170 = arith.constant 1.024000e+03 : f32
      %ge3A_171 = arith.cmpf oge, %reduce_sum3A_169, %ge3A_170 : f32
      %select_n3A_172 = arith.select %ge3A_171, %or3A_160, %select_n3A_158 : i32
      %or3A_173 = arith.constant 134217728 : i32
      %or3A_174 = arith.ori %select_n3A_172, %or3A_173 : i32
      %ge3A_175 = vector.broadcast %or3A_174 : i32 to vector<1152x128xi32>
      %ge3A_176 = arith.cmpi sge, %get3A_130, %ge3A_175 : vector<1152x128xi32>
      %convert_element_type3A_177 = arith.extui %ge3A_176 : vector<1152x128xi1> to vector<1152x128xi32>
      %convert_element_type3A_178 = arith.sitofp %convert_element_type3A_177 : vector<1152x128xi32> to vector<1152x128xf32>
      %reduce_sum3A_179 = vector.shape_cast %convert_element_type3A_178 : vector<1152x128xf32> to vector<1x1152x128xf32>
      %reduce_sum3A_180 = arith.constant dense<0.000000e+00> : vector<1xf32>
      %reduce_sum3A_181 = vector.multi_reduction <add>, %reduce_sum3A_179, %reduce_sum3A_180 [1, 2] : vector<1x1152x128xf32> to vector<1xf32>
      %reduce_sum3A_182 = vector.shape_cast %reduce_sum3A_181 : vector<1xf32> to vector<1x1x1xf32>
      %reduce_sum3A_183 = vector.extract %reduce_sum3A_182[0, 0, 0] : f32 from vector<1x1x1xf32>
      %ge3A_184 = arith.constant 1.024000e+03 : f32
      %ge3A_185 = arith.cmpf oge, %reduce_sum3A_183, %ge3A_184 : f32
      %select_n3A_186 = arith.select %ge3A_185, %or3A_174, %select_n3A_172 : i32
      %or3A_187 = arith.constant 67108864 : i32
      %or3A_188 = arith.ori %select_n3A_186, %or3A_187 : i32
      %ge3A_189 = vector.broadcast %or3A_188 : i32 to vector<1152x128xi32>
      %ge3A_190 = arith.cmpi sge, %get3A_130, %ge3A_189 : vector<1152x128xi32>
      %convert_element_type3A_191 = arith.extui %ge3A_190 : vector<1152x128xi1> to vector<1152x128xi32>
      %convert_element_type3A_192 = arith.sitofp %convert_element_type3A_191 : vector<1152x128xi32> to vector<1152x128xf32>
      %reduce_sum3A_193 = vector.shape_cast %convert_element_type3A_192 : vector<1152x128xf32> to vector<1x1152x128xf32>
      %reduce_sum3A_194 = arith.constant dense<0.000000e+00> : vector<1xf32>
      %reduce_sum3A_195 = vector.multi_reduction <add>, %reduce_sum3A_193, %reduce_sum3A_194 [1, 2] : vector<1x1152x128xf32> to vector<1xf32>
      %reduce_sum3A_196 = vector.shape_cast %reduce_sum3A_195 : vector<1xf32> to vector<1x1x1xf32>
      %reduce_sum3A_197 = vector.extract %reduce_sum3A_196[0, 0, 0] : f32 from vector<1x1x1xf32>
      %ge3A_198 = arith.constant 1.024000e+03 : f32
      %ge3A_199 = arith.cmpf oge, %reduce_sum3A_197, %ge3A_198 : f32
      %select_n3A_200 = arith.select %ge3A_199, %or3A_188, %select_n3A_186 : i32
      %or3A_201 = arith.constant 33554432 : i32
      %or3A_202 = arith.ori %select_n3A_200, %or3A_201 : i32
      %ge3A_203 = vector.broadcast %or3A_202 : i32 to vector<1152x128xi32>
      %ge3A_204 = arith.cmpi sge, %get3A_130, %ge3A_203 : vector<1152x128xi32>
      %convert_element_type3A_205 = arith.extui %ge3A_204 : vector<1152x128xi1> to vector<1152x128xi32>
      %convert_element_type3A_206 = arith.sitofp %convert_element_type3A_205 : vector<1152x128xi32> to vector<1152x128xf32>
      %reduce_sum3A_207 = vector.shape_cast %convert_element_type3A_206 : vector<1152x128xf32> to vector<1x1152x128xf32>
      %reduce_sum3A_208 = arith.constant dense<0.000000e+00> : vector<1xf32>
      %reduce_sum3A_209 = vector.multi_reduction <add>, %reduce_sum3A_207, %reduce_sum3A_208 [1, 2] : vector<1x1152x128xf32> to vector<1xf32>
      %reduce_sum3A_210 = vector.shape_cast %reduce_sum3A_209 : vector<1xf32> to vector<1x1x1xf32>
      %reduce_sum3A_211 = vector.extract %reduce_sum3A_210[0, 0, 0] : f32 from vector<1x1x1xf32>
      %ge3A_212 = arith.constant 1.024000e+03 : f32
      %ge3A_213 = arith.cmpf oge, %reduce_sum3A_211, %ge3A_212 : f32
      %select_n3A_214 = arith.select %ge3A_213, %or3A_202, %select_n3A_200 : i32
      %or3A_215 = arith.constant 16777216 : i32
      %or3A_216 = arith.ori %select_n3A_214, %or3A_215 : i32
      %ge3A_217 = vector.broadcast %or3A_216 : i32 to vector<1152x128xi32>
      %ge3A_218 = arith.cmpi sge, %get3A_130, %ge3A_217 : vector<1152x128xi32>
      %convert_element_type3A_219 = arith.extui %ge3A_218 : vector<1152x128xi1> to vector<1152x128xi32>
      %convert_element_type3A_220 = arith.sitofp %convert_element_type3A_219 : vector<1152x128xi32> to vector<1152x128xf32>
      %reduce_sum3A_221 = vector.shape_cast %convert_element_type3A_220 : vector<1152x128xf32> to vector<1x1152x128xf32>
      %reduce_sum3A_222 = arith.constant dense<0.000000e+00> : vector<1xf32>
      %reduce_sum3A_223 = vector.multi_reduction <add>, %reduce_sum3A_221, %reduce_sum3A_222 [1, 2] : vector<1x1152x128xf32> to vector<1xf32>
      %reduce_sum3A_224 = vector.shape_cast %reduce_sum3A_223 : vector<1xf32> to vector<1x1x1xf32>
      %reduce_sum3A_225 = vector.extract %reduce_sum3A_224[0, 0, 0] : f32 from vector<1x1x1xf32>
      %ge3A_226 = arith.constant 1.024000e+03 : f32
      %ge3A_227 = arith.cmpf oge, %reduce_sum3A_225, %ge3A_226 : f32
      %select_n3A_228 = arith.select %ge3A_227, %or3A_216, %select_n3A_214 : i32
      %or3A_229 = arith.constant 8388608 : i32
      %or3A_230 = arith.ori %select_n3A_228, %or3A_229 : i32
      %ge3A_231 = vector.broadcast %or3A_230 : i32 to vector<1152x128xi32>
      %ge3A_232 = arith.cmpi sge, %get3A_130, %ge3A_231 : vector<1152x128xi32>
      %convert_element_type3A_233 = arith.extui %ge3A_232 : vector<1152x128xi1> to vector<1152x128xi32>
      %convert_element_type3A_234 = arith.sitofp %convert_element_type3A_233 : vector<1152x128xi32> to vector<1152x128xf32>
      %reduce_sum3A_235 = vector.shape_cast %convert_element_type3A_234 : vector<1152x128xf32> to vector<1x1152x128xf32>
      %reduce_sum3A_236 = arith.constant dense<0.000000e+00> : vector<1xf32>
      %reduce_sum3A_237 = vector.multi_reduction <add>, %reduce_sum3A_235, %reduce_sum3A_236 [1, 2] : vector<1x1152x128xf32> to vector<1xf32>
      %reduce_sum3A_238 = vector.shape_cast %reduce_sum3A_237 : vector<1xf32> to vector<1x1x1xf32>
      %reduce_sum3A_239 = vector.extract %reduce_sum3A_238[0, 0, 0] : f32 from vector<1x1x1xf32>
      %ge3A_240 = arith.constant 1.024000e+03 : f32
      %ge3A_241 = arith.cmpf oge, %reduce_sum3A_239, %ge3A_240 : f32
      %select_n3A_242 = arith.select %ge3A_241, %or3A_230, %select_n3A_228 : i32
      %or3A_243 = arith.constant 4194304 : i32
      %or3A_244 = arith.ori %select_n3A_242, %or3A_243 : i32
      %ge3A_245 = vector.broadcast %or3A_244 : i32 to vector<1152x128xi32>
      %ge3A_246 = arith.cmpi sge, %get3A_130, %ge3A_245 : vector<1152x128xi32>
      %convert_element_type3A_247 = arith.extui %ge3A_246 : vector<1152x128xi1> to vector<1152x128xi32>
      %convert_element_type3A_248 = arith.sitofp %convert_element_type3A_247 : vector<1152x128xi32> to vector<1152x128xf32>
      %reduce_sum3A_249 = vector.shape_cast %convert_element_type3A_248 : vector<1152x128xf32> to vector<1x1152x128xf32>
      %reduce_sum3A_250 = arith.constant dense<0.000000e+00> : vector<1xf32>
      %reduce_sum3A_251 = vector.multi_reduction <add>, %reduce_sum3A_249, %reduce_sum3A_250 [1, 2] : vector<1x1152x128xf32> to vector<1xf32>
      %reduce_sum3A_252 = vector.shape_cast %reduce_sum3A_251 : vector<1xf32> to vector<1x1x1xf32>
      %reduce_sum3A_253 = vector.extract %reduce_sum3A_252[0, 0, 0] : f32 from vector<1x1x1xf32>
      %ge3A_254 = arith.constant 1.024000e+03 : f32
      %ge3A_255 = arith.cmpf oge, %reduce_sum3A_253, %ge3A_254 : f32
      %select_n3A_256 = arith.select %ge3A_255, %or3A_244, %select_n3A_242 : i32
      %or3A_257 = arith.constant 2097152 : i32
      %or3A_258 = arith.ori %select_n3A_256, %or3A_257 : i32
      %ge3A_259 = vector.broadcast %or3A_258 : i32 to vector<1152x128xi32>
      %ge3A_260 = arith.cmpi sge, %get3A_130, %ge3A_259 : vector<1152x128xi32>
      %convert_element_type3A_261 = arith.extui %ge3A_260 : vector<1152x128xi1> to vector<1152x128xi32>
      %convert_element_type3A_262 = arith.sitofp %convert_element_type3A_261 : vector<1152x128xi32> to vector<1152x128xf32>
      %reduce_sum3A_263 = vector.shape_cast %convert_element_type3A_262 : vector<1152x128xf32> to vector<1x1152x128xf32>
      %reduce_sum3A_264 = arith.constant dense<0.000000e+00> : vector<1xf32>
      %reduce_sum3A_265 = vector.multi_reduction <add>, %reduce_sum3A_263, %reduce_sum3A_264 [1, 2] : vector<1x1152x128xf32> to vector<1xf32>
      %reduce_sum3A_266 = vector.shape_cast %reduce_sum3A_265 : vector<1xf32> to vector<1x1x1xf32>
      %reduce_sum3A_267 = vector.extract %reduce_sum3A_266[0, 0, 0] : f32 from vector<1x1x1xf32>
      %ge3A_268 = arith.constant 1.024000e+03 : f32
      %ge3A_269 = arith.cmpf oge, %reduce_sum3A_267, %ge3A_268 : f32
      %select_n3A_270 = arith.select %ge3A_269, %or3A_258, %select_n3A_256 : i32
      %or3A_271 = arith.constant 1048576 : i32
      %or3A_272 = arith.ori %select_n3A_270, %or3A_271 : i32
      %ge3A_273 = vector.broadcast %or3A_272 : i32 to vector<1152x128xi32>
      %ge3A_274 = arith.cmpi sge, %get3A_130, %ge3A_273 : vector<1152x128xi32>
      %convert_element_type3A_275 = arith.extui %ge3A_274 : vector<1152x128xi1> to vector<1152x128xi32>
      %convert_element_type3A_276 = arith.sitofp %convert_element_type3A_275 : vector<1152x128xi32> to vector<1152x128xf32>
      %reduce_sum3A_277 = vector.shape_cast %convert_element_type3A_276 : vector<1152x128xf32> to vector<1x1152x128xf32>
      %reduce_sum3A_278 = arith.constant dense<0.000000e+00> : vector<1xf32>
      %reduce_sum3A_279 = vector.multi_reduction <add>, %reduce_sum3A_277, %reduce_sum3A_278 [1, 2] : vector<1x1152x128xf32> to vector<1xf32>
      %reduce_sum3A_280 = vector.shape_cast %reduce_sum3A_279 : vector<1xf32> to vector<1x1x1xf32>
      %reduce_sum3A_281 = vector.extract %reduce_sum3A_280[0, 0, 0] : f32 from vector<1x1x1xf32>
      %ge3A_282 = arith.constant 1.024000e+03 : f32
      %ge3A_283 = arith.cmpf oge, %reduce_sum3A_281, %ge3A_282 : f32
      %select_n3A_284 = arith.select %ge3A_283, %or3A_272, %select_n3A_270 : i32
      %or3A_285 = arith.constant 524288 : i32
      %or3A_286 = arith.ori %select_n3A_284, %or3A_285 : i32
      %ge3A_287 = vector.broadcast %or3A_286 : i32 to vector<1152x128xi32>
      %ge3A_288 = arith.cmpi sge, %get3A_130, %ge3A_287 : vector<1152x128xi32>
      %convert_element_type3A_289 = arith.extui %ge3A_288 : vector<1152x128xi1> to vector<1152x128xi32>
      %convert_element_type3A_290 = arith.sitofp %convert_element_type3A_289 : vector<1152x128xi32> to vector<1152x128xf32>
      %reduce_sum3A_291 = vector.shape_cast %convert_element_type3A_290 : vector<1152x128xf32> to vector<1x1152x128xf32>
      %reduce_sum3A_292 = arith.constant dense<0.000000e+00> : vector<1xf32>
      %reduce_sum3A_293 = vector.multi_reduction <add>, %reduce_sum3A_291, %reduce_sum3A_292 [1, 2] : vector<1x1152x128xf32> to vector<1xf32>
      %reduce_sum3A_294 = vector.shape_cast %reduce_sum3A_293 : vector<1xf32> to vector<1x1x1xf32>
      %reduce_sum3A_295 = vector.extract %reduce_sum3A_294[0, 0, 0] : f32 from vector<1x1x1xf32>
      %ge3A_296 = arith.constant 1.024000e+03 : f32
      %ge3A_297 = arith.cmpf oge, %reduce_sum3A_295, %ge3A_296 : f32
      %select_n3A_298 = arith.select %ge3A_297, %or3A_286, %select_n3A_284 : i32
      %or3A_299 = arith.constant 262144 : i32
      %or3A_300 = arith.ori %select_n3A_298, %or3A_299 : i32
      %ge3A_301 = vector.broadcast %or3A_300 : i32 to vector<1152x128xi32>
      %ge3A_302 = arith.cmpi sge, %get3A_130, %ge3A_301 : vector<1152x128xi32>
      %convert_element_type3A_303 = arith.extui %ge3A_302 : vector<1152x128xi1> to vector<1152x128xi32>
      %convert_element_type3A_304 = arith.sitofp %convert_element_type3A_303 : vector<1152x128xi32> to vector<1152x128xf32>
      %reduce_sum3A_305 = vector.shape_cast %convert_element_type3A_304 : vector<1152x128xf32> to vector<1x1152x128xf32>
      %reduce_sum3A_306 = arith.constant dense<0.000000e+00> : vector<1xf32>
      %reduce_sum3A_307 = vector.multi_reduction <add>, %reduce_sum3A_305, %reduce_sum3A_306 [1, 2] : vector<1x1152x128xf32> to vector<1xf32>
      %reduce_sum3A_308 = vector.shape_cast %reduce_sum3A_307 : vector<1xf32> to vector<1x1x1xf32>
      %reduce_sum3A_309 = vector.extract %reduce_sum3A_308[0, 0, 0] : f32 from vector<1x1x1xf32>
      %ge3A_310 = arith.constant 1.024000e+03 : f32
      %ge3A_311 = arith.cmpf oge, %reduce_sum3A_309, %ge3A_310 : f32
      %select_n3A_312 = arith.select %ge3A_311, %or3A_300, %select_n3A_298 : i32
      %or3A_313 = arith.constant 131072 : i32
      %or3A_314 = arith.ori %select_n3A_312, %or3A_313 : i32
      %ge3A_315 = vector.broadcast %or3A_314 : i32 to vector<1152x128xi32>
      %ge3A_316 = arith.cmpi sge, %get3A_130, %ge3A_315 : vector<1152x128xi32>
      %convert_element_type3A_317 = arith.extui %ge3A_316 : vector<1152x128xi1> to vector<1152x128xi32>
      %convert_element_type3A_318 = arith.sitofp %convert_element_type3A_317 : vector<1152x128xi32> to vector<1152x128xf32>
      %reduce_sum3A_319 = vector.shape_cast %convert_element_type3A_318 : vector<1152x128xf32> to vector<1x1152x128xf32>
      %reduce_sum3A_320 = arith.constant dense<0.000000e+00> : vector<1xf32>
      %reduce_sum3A_321 = vector.multi_reduction <add>, %reduce_sum3A_319, %reduce_sum3A_320 [1, 2] : vector<1x1152x128xf32> to vector<1xf32>
      %reduce_sum3A_322 = vector.shape_cast %reduce_sum3A_321 : vector<1xf32> to vector<1x1x1xf32>
      %reduce_sum3A_323 = vector.extract %reduce_sum3A_322[0, 0, 0] : f32 from vector<1x1x1xf32>
      %ge3A_324 = arith.constant 1.024000e+03 : f32
      %ge3A_325 = arith.cmpf oge, %reduce_sum3A_323, %ge3A_324 : f32
      %select_n3A_326 = arith.select %ge3A_325, %or3A_314, %select_n3A_312 : i32
      %or3A_327 = arith.constant 65536 : i32
      %or3A_328 = arith.ori %select_n3A_326, %or3A_327 : i32
      %ge3A_329 = vector.broadcast %or3A_328 : i32 to vector<1152x128xi32>
      %ge3A_330 = arith.cmpi sge, %get3A_130, %ge3A_329 : vector<1152x128xi32>
      %convert_element_type3A_331 = arith.extui %ge3A_330 : vector<1152x128xi1> to vector<1152x128xi32>
      %convert_element_type3A_332 = arith.sitofp %convert_element_type3A_331 : vector<1152x128xi32> to vector<1152x128xf32>
      %reduce_sum3A_333 = vector.shape_cast %convert_element_type3A_332 : vector<1152x128xf32> to vector<1x1152x128xf32>
      %reduce_sum3A_334 = arith.constant dense<0.000000e+00> : vector<1xf32>
      %reduce_sum3A_335 = vector.multi_reduction <add>, %reduce_sum3A_333, %reduce_sum3A_334 [1, 2] : vector<1x1152x128xf32> to vector<1xf32>
      %reduce_sum3A_336 = vector.shape_cast %reduce_sum3A_335 : vector<1xf32> to vector<1x1x1xf32>
      %reduce_sum3A_337 = vector.extract %reduce_sum3A_336[0, 0, 0] : f32 from vector<1x1x1xf32>
      %ge3A_338 = arith.constant 1.024000e+03 : f32
      %ge3A_339 = arith.cmpf oge, %reduce_sum3A_337, %ge3A_338 : f32
      %select_n3A_340 = arith.select %ge3A_339, %or3A_328, %select_n3A_326 : i32
      %or3A_341 = arith.constant 32768 : i32
      %or3A_342 = arith.ori %select_n3A_340, %or3A_341 : i32
      %ge3A_343 = vector.broadcast %or3A_342 : i32 to vector<1152x128xi32>
      %ge3A_344 = arith.cmpi sge, %get3A_130, %ge3A_343 : vector<1152x128xi32>
      %convert_element_type3A_345 = arith.extui %ge3A_344 : vector<1152x128xi1> to vector<1152x128xi32>
      %convert_element_type3A_346 = arith.sitofp %convert_element_type3A_345 : vector<1152x128xi32> to vector<1152x128xf32>
      %reduce_sum3A_347 = vector.shape_cast %convert_element_type3A_346 : vector<1152x128xf32> to vector<1x1152x128xf32>
      %reduce_sum3A_348 = arith.constant dense<0.000000e+00> : vector<1xf32>
      %reduce_sum3A_349 = vector.multi_reduction <add>, %reduce_sum3A_347, %reduce_sum3A_348 [1, 2] : vector<1x1152x128xf32> to vector<1xf32>
      %reduce_sum3A_350 = vector.shape_cast %reduce_sum3A_349 : vector<1xf32> to vector<1x1x1xf32>
      %reduce_sum3A_351 = vector.extract %reduce_sum3A_350[0, 0, 0] : f32 from vector<1x1x1xf32>
      %ge3A_352 = arith.constant 1.024000e+03 : f32
      %ge3A_353 = arith.cmpf oge, %reduce_sum3A_351, %ge3A_352 : f32
      %select_n3A_354 = arith.select %ge3A_353, %or3A_342, %select_n3A_340 : i32
      %or3A_355 = arith.constant 16384 : i32
      %or3A_356 = arith.ori %select_n3A_354, %or3A_355 : i32
      %ge3A_357 = vector.broadcast %or3A_356 : i32 to vector<1152x128xi32>
      %ge3A_358 = arith.cmpi sge, %get3A_130, %ge3A_357 : vector<1152x128xi32>
      %convert_element_type3A_359 = arith.extui %ge3A_358 : vector<1152x128xi1> to vector<1152x128xi32>
      %convert_element_type3A_360 = arith.sitofp %convert_element_type3A_359 : vector<1152x128xi32> to vector<1152x128xf32>
      %reduce_sum3A_361 = vector.shape_cast %convert_element_type3A_360 : vector<1152x128xf32> to vector<1x1152x128xf32>
      %reduce_sum3A_362 = arith.constant dense<0.000000e+00> : vector<1xf32>
      %reduce_sum3A_363 = vector.multi_reduction <add>, %reduce_sum3A_361, %reduce_sum3A_362 [1, 2] : vector<1x1152x128xf32> to vector<1xf32>
      %reduce_sum3A_364 = vector.shape_cast %reduce_sum3A_363 : vector<1xf32> to vector<1x1x1xf32>
      %reduce_sum3A_365 = vector.extract %reduce_sum3A_364[0, 0, 0] : f32 from vector<1x1x1xf32>
      %ge3A_366 = arith.constant 1.024000e+03 : f32
      %ge3A_367 = arith.cmpf oge, %reduce_sum3A_365, %ge3A_366 : f32
      %select_n3A_368 = arith.select %ge3A_367, %or3A_356, %select_n3A_354 : i32
      %or3A_369 = arith.constant 8192 : i32
      %or3A_370 = arith.ori %select_n3A_368, %or3A_369 : i32
      %ge3A_371 = vector.broadcast %or3A_370 : i32 to vector<1152x128xi32>
      %ge3A_372 = arith.cmpi sge, %get3A_130, %ge3A_371 : vector<1152x128xi32>
      %convert_element_type3A_373 = arith.extui %ge3A_372 : vector<1152x128xi1> to vector<1152x128xi32>
      %convert_element_type3A_374 = arith.sitofp %convert_element_type3A_373 : vector<1152x128xi32> to vector<1152x128xf32>
      %reduce_sum3A_375 = vector.shape_cast %convert_element_type3A_374 : vector<1152x128xf32> to vector<1x1152x128xf32>
      %reduce_sum3A_376 = arith.constant dense<0.000000e+00> : vector<1xf32>
      %reduce_sum3A_377 = vector.multi_reduction <add>, %reduce_sum3A_375, %reduce_sum3A_376 [1, 2] : vector<1x1152x128xf32> to vector<1xf32>
      %reduce_sum3A_378 = vector.shape_cast %reduce_sum3A_377 : vector<1xf32> to vector<1x1x1xf32>
      %reduce_sum3A_379 = vector.extract %reduce_sum3A_378[0, 0, 0] : f32 from vector<1x1x1xf32>
      %ge3A_380 = arith.constant 1.024000e+03 : f32
      %ge3A_381 = arith.cmpf oge, %reduce_sum3A_379, %ge3A_380 : f32
      %select_n3A_382 = arith.select %ge3A_381, %or3A_370, %select_n3A_368 : i32
      %or3A_383 = arith.constant 4096 : i32
      %or3A_384 = arith.ori %select_n3A_382, %or3A_383 : i32
      %ge3A_385 = vector.broadcast %or3A_384 : i32 to vector<1152x128xi32>
      %ge3A_386 = arith.cmpi sge, %get3A_130, %ge3A_385 : vector<1152x128xi32>
      %convert_element_type3A_387 = arith.extui %ge3A_386 : vector<1152x128xi1> to vector<1152x128xi32>
      %convert_element_type3A_388 = arith.sitofp %convert_element_type3A_387 : vector<1152x128xi32> to vector<1152x128xf32>
      %reduce_sum3A_389 = vector.shape_cast %convert_element_type3A_388 : vector<1152x128xf32> to vector<1x1152x128xf32>
      %reduce_sum3A_390 = arith.constant dense<0.000000e+00> : vector<1xf32>
      %reduce_sum3A_391 = vector.multi_reduction <add>, %reduce_sum3A_389, %reduce_sum3A_390 [1, 2] : vector<1x1152x128xf32> to vector<1xf32>
      %reduce_sum3A_392 = vector.shape_cast %reduce_sum3A_391 : vector<1xf32> to vector<1x1x1xf32>
      %reduce_sum3A_393 = vector.extract %reduce_sum3A_392[0, 0, 0] : f32 from vector<1x1x1xf32>
      %ge3A_394 = arith.constant 1.024000e+03 : f32
      %ge3A_395 = arith.cmpf oge, %reduce_sum3A_393, %ge3A_394 : f32
      %select_n3A_396 = arith.select %ge3A_395, %or3A_384, %select_n3A_382 : i32
      %or3A_397 = arith.constant 2048 : i32
      %or3A_398 = arith.ori %select_n3A_396, %or3A_397 : i32
      %ge3A_399 = vector.broadcast %or3A_398 : i32 to vector<1152x128xi32>
      %ge3A_400 = arith.cmpi sge, %get3A_130, %ge3A_399 : vector<1152x128xi32>
      %convert_element_type3A_401 = arith.extui %ge3A_400 : vector<1152x128xi1> to vector<1152x128xi32>
      %convert_element_type3A_402 = arith.sitofp %convert_element_type3A_401 : vector<1152x128xi32> to vector<1152x128xf32>
      %reduce_sum3A_403 = vector.shape_cast %convert_element_type3A_402 : vector<1152x128xf32> to vector<1x1152x128xf32>
      %reduce_sum3A_404 = arith.constant dense<0.000000e+00> : vector<1xf32>
      %reduce_sum3A_405 = vector.multi_reduction <add>, %reduce_sum3A_403, %reduce_sum3A_404 [1, 2] : vector<1x1152x128xf32> to vector<1xf32>
      %reduce_sum3A_406 = vector.shape_cast %reduce_sum3A_405 : vector<1xf32> to vector<1x1x1xf32>
      %reduce_sum3A_407 = vector.extract %reduce_sum3A_406[0, 0, 0] : f32 from vector<1x1x1xf32>
      %ge3A_408 = arith.constant 1.024000e+03 : f32
      %ge3A_409 = arith.cmpf oge, %reduce_sum3A_407, %ge3A_408 : f32
      %select_n3A_410 = arith.select %ge3A_409, %or3A_398, %select_n3A_396 : i32
      %or3A_411 = arith.constant 1024 : i32
      %or3A_412 = arith.ori %select_n3A_410, %or3A_411 : i32
      %ge3A_413 = vector.broadcast %or3A_412 : i32 to vector<1152x128xi32>
      %ge3A_414 = arith.cmpi sge, %get3A_130, %ge3A_413 : vector<1152x128xi32>
      %convert_element_type3A_415 = arith.extui %ge3A_414 : vector<1152x128xi1> to vector<1152x128xi32>
      %convert_element_type3A_416 = arith.sitofp %convert_element_type3A_415 : vector<1152x128xi32> to vector<1152x128xf32>
      %reduce_sum3A_417 = vector.shape_cast %convert_element_type3A_416 : vector<1152x128xf32> to vector<1x1152x128xf32>
      %reduce_sum3A_418 = arith.constant dense<0.000000e+00> : vector<1xf32>
      %reduce_sum3A_419 = vector.multi_reduction <add>, %reduce_sum3A_417, %reduce_sum3A_418 [1, 2] : vector<1x1152x128xf32> to vector<1xf32>
      %reduce_sum3A_420 = vector.shape_cast %reduce_sum3A_419 : vector<1xf32> to vector<1x1x1xf32>
      %reduce_sum3A_421 = vector.extract %reduce_sum3A_420[0, 0, 0] : f32 from vector<1x1x1xf32>
      %ge3A_422 = arith.constant 1.024000e+03 : f32
      %ge3A_423 = arith.cmpf oge, %reduce_sum3A_421, %ge3A_422 : f32
      %select_n3A_424 = arith.select %ge3A_423, %or3A_412, %select_n3A_410 : i32
      %or3A_425 = arith.constant 512 : i32
      %or3A_426 = arith.ori %select_n3A_424, %or3A_425 : i32
      %ge3A_427 = vector.broadcast %or3A_426 : i32 to vector<1152x128xi32>
      %ge3A_428 = arith.cmpi sge, %get3A_130, %ge3A_427 : vector<1152x128xi32>
      %convert_element_type3A_429 = arith.extui %ge3A_428 : vector<1152x128xi1> to vector<1152x128xi32>
      %convert_element_type3A_430 = arith.sitofp %convert_element_type3A_429 : vector<1152x128xi32> to vector<1152x128xf32>
      %reduce_sum3A_431 = vector.shape_cast %convert_element_type3A_430 : vector<1152x128xf32> to vector<1x1152x128xf32>
      %reduce_sum3A_432 = arith.constant dense<0.000000e+00> : vector<1xf32>
      %reduce_sum3A_433 = vector.multi_reduction <add>, %reduce_sum3A_431, %reduce_sum3A_432 [1, 2] : vector<1x1152x128xf32> to vector<1xf32>
      %reduce_sum3A_434 = vector.shape_cast %reduce_sum3A_433 : vector<1xf32> to vector<1x1x1xf32>
      %reduce_sum3A_435 = vector.extract %reduce_sum3A_434[0, 0, 0] : f32 from vector<1x1x1xf32>
      %ge3A_436 = arith.constant 1.024000e+03 : f32
      %ge3A_437 = arith.cmpf oge, %reduce_sum3A_435, %ge3A_436 : f32
      %select_n3A_438 = arith.select %ge3A_437, %or3A_426, %select_n3A_424 : i32
      %or3A_439 = arith.constant 256 : i32
      %or3A_440 = arith.ori %select_n3A_438, %or3A_439 : i32
      %ge3A_441 = vector.broadcast %or3A_440 : i32 to vector<1152x128xi32>
      %ge3A_442 = arith.cmpi sge, %get3A_130, %ge3A_441 : vector<1152x128xi32>
      %convert_element_type3A_443 = arith.extui %ge3A_442 : vector<1152x128xi1> to vector<1152x128xi32>
      %convert_element_type3A_444 = arith.sitofp %convert_element_type3A_443 : vector<1152x128xi32> to vector<1152x128xf32>
      %reduce_sum3A_445 = vector.shape_cast %convert_element_type3A_444 : vector<1152x128xf32> to vector<1x1152x128xf32>
      %reduce_sum3A_446 = arith.constant dense<0.000000e+00> : vector<1xf32>
      %reduce_sum3A_447 = vector.multi_reduction <add>, %reduce_sum3A_445, %reduce_sum3A_446 [1, 2] : vector<1x1152x128xf32> to vector<1xf32>
      %reduce_sum3A_448 = vector.shape_cast %reduce_sum3A_447 : vector<1xf32> to vector<1x1x1xf32>
      %reduce_sum3A_449 = vector.extract %reduce_sum3A_448[0, 0, 0] : f32 from vector<1x1x1xf32>
      %ge3A_450 = arith.constant 1.024000e+03 : f32
      %ge3A_451 = arith.cmpf oge, %reduce_sum3A_449, %ge3A_450 : f32
      %select_n3A_452 = arith.select %ge3A_451, %or3A_440, %select_n3A_438 : i32
      %or3A_453 = arith.constant 128 : i32
      %or3A_454 = arith.ori %select_n3A_452, %or3A_453 : i32
      %ge3A_455 = vector.broadcast %or3A_454 : i32 to vector<1152x128xi32>
      %ge3A_456 = arith.cmpi sge, %get3A_130, %ge3A_455 : vector<1152x128xi32>
      %convert_element_type3A_457 = arith.extui %ge3A_456 : vector<1152x128xi1> to vector<1152x128xi32>
      %convert_element_type3A_458 = arith.sitofp %convert_element_type3A_457 : vector<1152x128xi32> to vector<1152x128xf32>
      %reduce_sum3A_459 = vector.shape_cast %convert_element_type3A_458 : vector<1152x128xf32> to vector<1x1152x128xf32>
      %reduce_sum3A_460 = arith.constant dense<0.000000e+00> : vector<1xf32>
      %reduce_sum3A_461 = vector.multi_reduction <add>, %reduce_sum3A_459, %reduce_sum3A_460 [1, 2] : vector<1x1152x128xf32> to vector<1xf32>
      %reduce_sum3A_462 = vector.shape_cast %reduce_sum3A_461 : vector<1xf32> to vector<1x1x1xf32>
      %reduce_sum3A_463 = vector.extract %reduce_sum3A_462[0, 0, 0] : f32 from vector<1x1x1xf32>
      %ge3A_464 = arith.constant 1.024000e+03 : f32
      %ge3A_465 = arith.cmpf oge, %reduce_sum3A_463, %ge3A_464 : f32
      %select_n3A_466 = arith.select %ge3A_465, %or3A_454, %select_n3A_452 : i32
      %or3A_467 = arith.constant 64 : i32
      %or3A_468 = arith.ori %select_n3A_466, %or3A_467 : i32
      %ge3A_469 = vector.broadcast %or3A_468 : i32 to vector<1152x128xi32>
      %ge3A_470 = arith.cmpi sge, %get3A_130, %ge3A_469 : vector<1152x128xi32>
      %convert_element_type3A_471 = arith.extui %ge3A_470 : vector<1152x128xi1> to vector<1152x128xi32>
      %convert_element_type3A_472 = arith.sitofp %convert_element_type3A_471 : vector<1152x128xi32> to vector<1152x128xf32>
      %reduce_sum3A_473 = vector.shape_cast %convert_element_type3A_472 : vector<1152x128xf32> to vector<1x1152x128xf32>
      %reduce_sum3A_474 = arith.constant dense<0.000000e+00> : vector<1xf32>
      %reduce_sum3A_475 = vector.multi_reduction <add>, %reduce_sum3A_473, %reduce_sum3A_474 [1, 2] : vector<1x1152x128xf32> to vector<1xf32>
      %reduce_sum3A_476 = vector.shape_cast %reduce_sum3A_475 : vector<1xf32> to vector<1x1x1xf32>
      %reduce_sum3A_477 = vector.extract %reduce_sum3A_476[0, 0, 0] : f32 from vector<1x1x1xf32>
      %ge3A_478 = arith.constant 1.024000e+03 : f32
      %ge3A_479 = arith.cmpf oge, %reduce_sum3A_477, %ge3A_478 : f32
      %select_n3A_480 = arith.select %ge3A_479, %or3A_468, %select_n3A_466 : i32
      %or3A_481 = arith.constant 32 : i32
      %or3A_482 = arith.ori %select_n3A_480, %or3A_481 : i32
      %ge3A_483 = vector.broadcast %or3A_482 : i32 to vector<1152x128xi32>
      %ge3A_484 = arith.cmpi sge, %get3A_130, %ge3A_483 : vector<1152x128xi32>
      %convert_element_type3A_485 = arith.extui %ge3A_484 : vector<1152x128xi1> to vector<1152x128xi32>
      %convert_element_type3A_486 = arith.sitofp %convert_element_type3A_485 : vector<1152x128xi32> to vector<1152x128xf32>
      %reduce_sum3A_487 = vector.shape_cast %convert_element_type3A_486 : vector<1152x128xf32> to vector<1x1152x128xf32>
      %reduce_sum3A_488 = arith.constant dense<0.000000e+00> : vector<1xf32>
      %reduce_sum3A_489 = vector.multi_reduction <add>, %reduce_sum3A_487, %reduce_sum3A_488 [1, 2] : vector<1x1152x128xf32> to vector<1xf32>
      %reduce_sum3A_490 = vector.shape_cast %reduce_sum3A_489 : vector<1xf32> to vector<1x1x1xf32>
      %reduce_sum3A_491 = vector.extract %reduce_sum3A_490[0, 0, 0] : f32 from vector<1x1x1xf32>
      %ge3A_492 = arith.constant 1.024000e+03 : f32
      %ge3A_493 = arith.cmpf oge, %reduce_sum3A_491, %ge3A_492 : f32
      %select_n3A_494 = arith.select %ge3A_493, %or3A_482, %select_n3A_480 : i32
      %or3A_495 = arith.constant 16 : i32
      %or3A_496 = arith.ori %select_n3A_494, %or3A_495 : i32
      %ge3A_497 = vector.broadcast %or3A_496 : i32 to vector<1152x128xi32>
      %ge3A_498 = arith.cmpi sge, %get3A_130, %ge3A_497 : vector<1152x128xi32>
      %convert_element_type3A_499 = arith.extui %ge3A_498 : vector<1152x128xi1> to vector<1152x128xi32>
      %convert_element_type3A_500 = arith.sitofp %convert_element_type3A_499 : vector<1152x128xi32> to vector<1152x128xf32>
      %reduce_sum3A_501 = vector.shape_cast %convert_element_type3A_500 : vector<1152x128xf32> to vector<1x1152x128xf32>
      %reduce_sum3A_502 = arith.constant dense<0.000000e+00> : vector<1xf32>
      %reduce_sum3A_503 = vector.multi_reduction <add>, %reduce_sum3A_501, %reduce_sum3A_502 [1, 2] : vector<1x1152x128xf32> to vector<1xf32>
      %reduce_sum3A_504 = vector.shape_cast %reduce_sum3A_503 : vector<1xf32> to vector<1x1x1xf32>
      %reduce_sum3A_505 = vector.extract %reduce_sum3A_504[0, 0, 0] : f32 from vector<1x1x1xf32>
      %ge3A_506 = arith.constant 1.024000e+03 : f32
      %ge3A_507 = arith.cmpf oge, %reduce_sum3A_505, %ge3A_506 : f32
      %select_n3A_508 = arith.select %ge3A_507, %or3A_496, %select_n3A_494 : i32
      %or3A_509 = arith.constant 8 : i32
      %or3A_510 = arith.ori %select_n3A_508, %or3A_509 : i32
      %ge3A_511 = vector.broadcast %or3A_510 : i32 to vector<1152x128xi32>
      %ge3A_512 = arith.cmpi sge, %get3A_130, %ge3A_511 : vector<1152x128xi32>
      %convert_element_type3A_513 = arith.extui %ge3A_512 : vector<1152x128xi1> to vector<1152x128xi32>
      %convert_element_type3A_514 = arith.sitofp %convert_element_type3A_513 : vector<1152x128xi32> to vector<1152x128xf32>
      %reduce_sum3A_515 = vector.shape_cast %convert_element_type3A_514 : vector<1152x128xf32> to vector<1x1152x128xf32>
      %reduce_sum3A_516 = arith.constant dense<0.000000e+00> : vector<1xf32>
      %reduce_sum3A_517 = vector.multi_reduction <add>, %reduce_sum3A_515, %reduce_sum3A_516 [1, 2] : vector<1x1152x128xf32> to vector<1xf32>
      %reduce_sum3A_518 = vector.shape_cast %reduce_sum3A_517 : vector<1xf32> to vector<1x1x1xf32>
      %reduce_sum3A_519 = vector.extract %reduce_sum3A_518[0, 0, 0] : f32 from vector<1x1x1xf32>
      %ge3A_520 = arith.constant 1.024000e+03 : f32
      %ge3A_521 = arith.cmpf oge, %reduce_sum3A_519, %ge3A_520 : f32
      %select_n3A_522 = arith.select %ge3A_521, %or3A_510, %select_n3A_508 : i32
      %or3A_523 = arith.constant 4 : i32
      %or3A_524 = arith.ori %select_n3A_522, %or3A_523 : i32
      %ge3A_525 = vector.broadcast %or3A_524 : i32 to vector<1152x128xi32>
      %ge3A_526 = arith.cmpi sge, %get3A_130, %ge3A_525 : vector<1152x128xi32>
      %convert_element_type3A_527 = arith.extui %ge3A_526 : vector<1152x128xi1> to vector<1152x128xi32>
      %convert_element_type3A_528 = arith.sitofp %convert_element_type3A_527 : vector<1152x128xi32> to vector<1152x128xf32>
      %reduce_sum3A_529 = vector.shape_cast %convert_element_type3A_528 : vector<1152x128xf32> to vector<1x1152x128xf32>
      %reduce_sum3A_530 = arith.constant dense<0.000000e+00> : vector<1xf32>
      %reduce_sum3A_531 = vector.multi_reduction <add>, %reduce_sum3A_529, %reduce_sum3A_530 [1, 2] : vector<1x1152x128xf32> to vector<1xf32>
      %reduce_sum3A_532 = vector.shape_cast %reduce_sum3A_531 : vector<1xf32> to vector<1x1x1xf32>
      %reduce_sum3A_533 = vector.extract %reduce_sum3A_532[0, 0, 0] : f32 from vector<1x1x1xf32>
      %ge3A_534 = arith.constant 1.024000e+03 : f32
      %ge3A_535 = arith.cmpf oge, %reduce_sum3A_533, %ge3A_534 : f32
      %select_n3A_536 = arith.select %ge3A_535, %or3A_524, %select_n3A_522 : i32
      %or3A_537 = arith.constant 2 : i32
      %or3A_538 = arith.ori %select_n3A_536, %or3A_537 : i32
      %ge3A_539 = vector.broadcast %or3A_538 : i32 to vector<1152x128xi32>
      %ge3A_540 = arith.cmpi sge, %get3A_130, %ge3A_539 : vector<1152x128xi32>
      %convert_element_type3A_541 = arith.extui %ge3A_540 : vector<1152x128xi1> to vector<1152x128xi32>
      %convert_element_type3A_542 = arith.sitofp %convert_element_type3A_541 : vector<1152x128xi32> to vector<1152x128xf32>
      %reduce_sum3A_543 = vector.shape_cast %convert_element_type3A_542 : vector<1152x128xf32> to vector<1x1152x128xf32>
      %reduce_sum3A_544 = arith.constant dense<0.000000e+00> : vector<1xf32>
      %reduce_sum3A_545 = vector.multi_reduction <add>, %reduce_sum3A_543, %reduce_sum3A_544 [1, 2] : vector<1x1152x128xf32> to vector<1xf32>
      %reduce_sum3A_546 = vector.shape_cast %reduce_sum3A_545 : vector<1xf32> to vector<1x1x1xf32>
      %reduce_sum3A_547 = vector.extract %reduce_sum3A_546[0, 0, 0] : f32 from vector<1x1x1xf32>
      %ge3A_548 = arith.constant 1.024000e+03 : f32
      %ge3A_549 = arith.cmpf oge, %reduce_sum3A_547, %ge3A_548 : f32
      %select_n3A_550 = arith.select %ge3A_549, %or3A_538, %select_n3A_536 : i32
      %or3A_551 = arith.constant 1 : i32
      %or3A_552 = arith.ori %select_n3A_550, %or3A_551 : i32
      %ge3A_553 = vector.broadcast %or3A_552 : i32 to vector<1152x128xi32>
      %ge3A_554 = arith.cmpi sge, %get3A_130, %ge3A_553 : vector<1152x128xi32>
      %convert_element_type3A_555 = arith.extui %ge3A_554 : vector<1152x128xi1> to vector<1152x128xi32>
      %convert_element_type3A_556 = arith.sitofp %convert_element_type3A_555 : vector<1152x128xi32> to vector<1152x128xf32>
      %reduce_sum3A_557 = vector.shape_cast %convert_element_type3A_556 : vector<1152x128xf32> to vector<1x1152x128xf32>
      %reduce_sum3A_558 = arith.constant dense<0.000000e+00> : vector<1xf32>
      %reduce_sum3A_559 = vector.multi_reduction <add>, %reduce_sum3A_557, %reduce_sum3A_558 [1, 2] : vector<1x1152x128xf32> to vector<1xf32>
      %reduce_sum3A_560 = vector.shape_cast %reduce_sum3A_559 : vector<1xf32> to vector<1x1x1xf32>
      %reduce_sum3A_561 = vector.extract %reduce_sum3A_560[0, 0, 0] : f32 from vector<1x1x1xf32>
      %ge3A_562 = arith.constant 1.024000e+03 : f32
      %ge3A_563 = arith.cmpf oge, %reduce_sum3A_561, %ge3A_562 : f32
      %select_n3A_564 = arith.select %ge3A_563, %or3A_552, %select_n3A_550 : i32
      %gt3A = vector.broadcast %select_n3A_564 : i32 to vector<1152x128xi32>
      %gt3A_565 = arith.cmpi sgt, %get3A_130, %gt3A : vector<1152x128xi32>
      %convert_element_type3A_566 = arith.extui %gt3A_565 : vector<1152x128xi1> to vector<1152x128xi32>
      %convert_element_type3A_567 = arith.sitofp %convert_element_type3A_566 : vector<1152x128xi32> to vector<1152x128xf32>
      %reduce_sum3A_568 = vector.shape_cast %convert_element_type3A_567 : vector<1152x128xf32> to vector<1x1152x128xf32>
      %reduce_sum3A_569 = arith.constant dense<0.000000e+00> : vector<1xf32>
      %reduce_sum3A_570 = vector.multi_reduction <add>, %reduce_sum3A_568, %reduce_sum3A_569 [1, 2] : vector<1x1152x128xf32> to vector<1xf32>
      %reduce_sum3A_571 = vector.shape_cast %reduce_sum3A_570 : vector<1xf32> to vector<1x1x1xf32>
      %reduce_sum3A_572 = vector.extract %reduce_sum3A_571[0, 0, 0] : f32 from vector<1x1x1xf32>
      %sub3A_573 = arith.constant 1.024000e+03 : f32
      %sub3A_574 = arith.subf %sub3A_573, %reduce_sum3A_572 : f32
      %reshape3A_575 = vector.shape_cast %get3A_130 : vector<1152x128xi32> to vector<16x72x128xi32>
      %eq3A_576 = vector.broadcast %select_n3A_564 : i32 to vector<16x72x128xi32>
      %eq3A_577 = arith.cmpi eq, %reshape3A_575, %eq3A_576 : vector<16x72x128xi32>
      %convert_element_type3A_578 = arith.extui %eq3A_577 : vector<16x72x128xi1> to vector<16x72x128xi32>
      %convert_element_type3A_579 = arith.sitofp %convert_element_type3A_578 : vector<16x72x128xi32> to vector<16x72x128xf32>
      %reduce_sum3A_580 = arith.constant dense<0.000000e+00> : vector<16xf32>
      %reduce_sum3A_581 = vector.multi_reduction <add>, %convert_element_type3A_579, %reduce_sum3A_580 [1, 2] : vector<16x72x128xf32> to vector<16xf32>
      %reshape3A_582 = vector.shape_cast %reduce_sum3A_581 : vector<16xf32> to vector<1x16xf32>
      %gt3A_583 = vector.broadcast %select_n3A_564 : i32 to vector<16x72x128xi32>
      %gt3A_584 = arith.cmpi sgt, %reshape3A_575, %gt3A_583 : vector<16x72x128xi32>
      %convert_element_type3A_585 = arith.extui %gt3A_584 : vector<16x72x128xi1> to vector<16x72x128xi32>
      %convert_element_type3A_586 = arith.sitofp %convert_element_type3A_585 : vector<16x72x128xi32> to vector<16x72x128xf32>
      %reduce_sum3A_587 = arith.constant dense<0.000000e+00> : vector<16xf32>
      %reduce_sum3A_588 = vector.multi_reduction <add>, %convert_element_type3A_586, %reduce_sum3A_587 [1, 2] : vector<16x72x128xf32> to vector<16xf32>
      %reshape3A_589 = vector.shape_cast %reduce_sum3A_588 : vector<16xf32> to vector<1x16xf32>
      %jit3A_590 = arith.constant 0 : i32
      %convert_element_type3A_591 = arith.sitofp %jit3A_590 : i32 to f32
      %pad3A = vector.broadcast %convert_element_type3A_591 : f32 to vector<1x1xf32>
      %pad3A_592 = tpu.concatenate %pad3A, %reshape3A_582 in 1 : vector<1x1xf32>, vector<1x16xf32> -> vector<1x17xf32>
      %slice3A_593 = vector.extract_strided_slice %pad3A_592 {offsets = [0, 0], sizes = [1, 16], strides = [1, 1]} : vector<1x17xf32> to vector<1x16xf32>
      %add3A_594 = arith.addf %reshape3A_582, %slice3A_593 : vector<1x16xf32>
      %jit3A_595 = arith.constant 0 : i32
      %convert_element_type3A_596 = arith.sitofp %jit3A_595 : i32 to f32
      %pad3A_597 = vector.broadcast %convert_element_type3A_596 : f32 to vector<1x2xf32>
      %pad3A_598 = tpu.concatenate %pad3A_597, %add3A_594 in 1 : vector<1x2xf32>, vector<1x16xf32> -> vector<1x18xf32>
      %slice3A_599 = vector.extract_strided_slice %pad3A_598 {offsets = [0, 0], sizes = [1, 16], strides = [1, 1]} : vector<1x18xf32> to vector<1x16xf32>
      %add3A_600 = arith.addf %add3A_594, %slice3A_599 : vector<1x16xf32>
      %jit3A_601 = arith.constant 0 : i32
      %convert_element_type3A_602 = arith.sitofp %jit3A_601 : i32 to f32
      %pad3A_603 = vector.broadcast %convert_element_type3A_602 : f32 to vector<1x4xf32>
      %pad3A_604 = tpu.concatenate %pad3A_603, %add3A_600 in 1 : vector<1x4xf32>, vector<1x16xf32> -> vector<1x20xf32>
      %slice3A_605 = vector.extract_strided_slice %pad3A_604 {offsets = [0, 0], sizes = [1, 16], strides = [1, 1]} : vector<1x20xf32> to vector<1x16xf32>
      %add3A_606 = arith.addf %add3A_600, %slice3A_605 : vector<1x16xf32>
      %jit3A_607 = arith.constant 0 : i32
      %convert_element_type3A_608 = arith.sitofp %jit3A_607 : i32 to f32
      %pad3A_609 = vector.broadcast %convert_element_type3A_608 : f32 to vector<1x8xf32>
      %pad3A_610 = tpu.concatenate %pad3A_609, %add3A_606 in 1 : vector<1x8xf32>, vector<1x16xf32> -> vector<1x24xf32>
      %slice3A_611 = vector.extract_strided_slice %pad3A_610 {offsets = [0, 0], sizes = [1, 16], strides = [1, 1]} : vector<1x24xf32> to vector<1x16xf32>
      %add3A_612 = arith.addf %add3A_606, %slice3A_611 : vector<1x16xf32>
      %sub3A_613 = arith.subf %add3A_612, %reshape3A_582 : vector<1x16xf32>
      %sub3A_614 = vector.broadcast %sub3A_574 : f32 to vector<1x16xf32>
      %sub3A_615 = arith.subf %sub3A_614, %sub3A_613 : vector<1x16xf32>
      %jit3A_616 = arith.constant 0.000000e+00 : f32
      %max3A = vector.broadcast %jit3A_616 : f32 to vector<1x16xf32>
      %max3A_617 = arith.maximumf %max3A, %sub3A_615 : vector<1x16xf32>
      %min3A = arith.minimumf %reshape3A_582, %max3A_617 : vector<1x16xf32>
      %add3A_618 = arith.addf %reshape3A_589, %min3A : vector<1x16xf32>
      %broadcast_in_dim3A_619 = arith.constant 0 : i32
      %broadcast_in_dim3A_620 = vector.broadcast %broadcast_in_dim3A_619 : i32 to vector<1x16xi32>
      %broadcast_in_dim3A_621 = vector.broadcast %select_n3A_564 : i32 to vector<1x16xi32>
      %convert_element_type3A_622 = arith.fptosi %min3A : vector<1x16xf32> to vector<1x16xi32>
      %convert_element_type3A_623 = arith.fptosi %add3A_618 : vector<1x16xf32> to vector<1x16xi32>
      %convert_element_type3A_624 = arith.fptosi %reshape3A_589 : vector<1x16xf32> to vector<1x16xi32>
      %concatenate3A = tpu.concatenate %broadcast_in_dim3A_621, %convert_element_type3A_622, %convert_element_type3A_623, %convert_element_type3A_624, %broadcast_in_dim3A_620, %broadcast_in_dim3A_620, %broadcast_in_dim3A_620, %broadcast_in_dim3A_620 in 0 : vector<1x16xi32>, vector<1x16xi32>, vector<1x16xi32>, vector<1x16xi32>, vector<1x16xi32>, vector<1x16xi32>, vector<1x16xi32>, vector<1x16xi32> -> vector<8x16xi32>
      %swap3A_625 = arith.constant 0 : index
      %swap3A_626 = arith.constant 0 : index
      %swap3A_627 = arith.constant 0 : index
      %swap3A_628 = vector.load %arg8[%swap3A_625, %swap3A_626, %swap3A_627] : memref<1x8x16xi32, #tpu.memory_space<vmem>>, vector<1x8x16xi32>
      %swap3A_629 = vector.shape_cast %swap3A_628 : vector<1x8x16xi32> to vector<8x16xi32>
      %swap3A_630 = vector.shape_cast %concatenate3A : vector<8x16xi32> to vector<1x8x16xi32>
      tpu.vector_store %arg8[%swap3A_625, %swap3A_626, %swap3A_627], %swap3A_630 {strides = array<i32>} : memref<1x8x16xi32, #tpu.memory_space<vmem>>, vector<1x8x16xi32>,
    } else {
    }
    return
  }
  func.func @transform_0(%arg0: i32, %arg1: i32) -> (i32, i32, i32, i32) {
    %c0_i32 = arith.constant 0 : i32
    %c0_i32_0 = arith.constant 0 : i32
    %c0_i32_1 = arith.constant 0 : i32
    return %arg0, %c0_i32, %arg1, %c0_i32_0 : i32, i32, i32, i32
  }
  func.func @transform_1(%arg0: i32, %arg1: i32) -> (i32, i32) {
    %c0_i32 = arith.constant 0 : i32
    %c0_i32_0 = arith.constant 0 : i32
    %c0_i32_1 = arith.constant 0 : i32
    return %c0_i32, %c0_i32_0 : i32, i32
  }
  func.func @transform_2(%arg0: i32, %arg1: i32) -> i32 {
    %c0_i32 = arith.constant 0 : i32
    %c0_i32_0 = arith.constant 0 : i32
    return %c0_i32 : i32
  }
  func.func @transform_3(%arg0: i32, %arg1: i32) -> (i32, i32, i32) {
    %c0_i32 = arith.constant 0 : i32
    %c0_i32_0 = arith.constant 0 : i32
    return %arg0, %arg1, %c0_i32 : i32, i32, i32
  }
  func.func @transform_4(%arg0: i32, %arg1: i32) -> (i32, i32) {
    %mul3A = arith.constant 48 : i32
    %mul3A_0 = arith.muli %arg0, %mul3A : i32
    %add3A = arith.addi %mul3A_0, %arg1 : i32
    %c0_i32 = arith.constant 0 : i32
    %c0_i32_1 = arith.constant 0 : i32
    return %add3A, %c0_i32 : i32, i32
  }
  func.func @transform_5(%arg0: i32, %arg1: i32) -> (i32, i32, i32, i32) {
    %jit3A = arith.constant 3 : i32
    %div3A = arith.divsi %arg1, %jit3A : i32
    %sign3A = arith.constant 0 : i32
    %sign3A_0 = arith.cmpi sgt, %arg1, %sign3A : i32
    %sign3A_1 = arith.extui %sign3A_0 : i1 to i32
    %sign3A_2 = arith.constant 0 : i32
    %sign3A_3 = arith.cmpi slt, %arg1, %sign3A_2 : i32
    %sign3A_4 = arith.extui %sign3A_3 : i1 to i32
    %sign3A_5 = arith.subi %sign3A_1, %sign3A_4 : i32
    %sign3A_6 = arith.constant 0 : i32
    %sign3A_7 = arith.cmpi sgt, %jit3A, %sign3A_6 : i32
    %sign3A_8 = arith.extui %sign3A_7 : i1 to i32
    %sign3A_9 = arith.constant 0 : i32
    %sign3A_10 = arith.cmpi slt, %jit3A, %sign3A_9 : i32
    %sign3A_11 = arith.extui %sign3A_10 : i1 to i32
    %sign3A_12 = arith.subi %sign3A_8, %sign3A_11 : i32
    %ne3A = arith.cmpi ne, %sign3A_5, %sign3A_12 : i32
    %rem3A = arith.remsi %arg1, %jit3A : i32
    %ne3A_13 = arith.constant 0 : i32
    %ne3A_14 = arith.cmpi ne, %rem3A, %ne3A_13 : i32
    %and3A = arith.andi %ne3A, %ne3A_14 : i1
    %sub3A = arith.constant 1 : i32
    %sub3A_15 = arith.subi %div3A, %sub3A : i32
    %select_n3A = arith.select %and3A, %sub3A_15, %div3A : i32
    %jit3A_16 = arith.constant 3 : i32
    %eq3A = arith.constant 0 : i32
    %eq3A_17 = arith.cmpi eq, %jit3A_16, %eq3A : i32
    %jit3A_18 = arith.constant 1 : i32
    %select_n3A_19 = arith.select %eq3A_17, %jit3A_18, %jit3A_16 : i32
    %rem3A_20 = arith.remsi %arg1, %select_n3A_19 : i32
    %ne3A_21 = arith.constant 0 : i32
    %ne3A_22 = arith.cmpi ne, %rem3A_20, %ne3A_21 : i32
    %lt3A = arith.constant 0 : i32
    %lt3A_23 = arith.cmpi slt, %rem3A_20, %lt3A : i32
    %lt3A_24 = arith.constant 0 : i32
    %lt3A_25 = arith.cmpi slt, %select_n3A_19, %lt3A_24 : i32
    %ne3A_26 = arith.xori %lt3A_23, %lt3A_25 : i1
    %and3A_27 = arith.andi %ne3A_26, %ne3A_22 : i1
    %add3A = arith.addi %rem3A_20, %select_n3A_19 : i32
    %select_n3A_28 = arith.select %and3A_27, %add3A, %rem3A_20 : i32
    %c0_i32 = arith.constant 0 : i32
    %c0_i32_29 = arith.constant 0 : i32
    return %arg0, %select_n3A, %select_n3A_28, %c0_i32 : i32, i32, i32, i32
  }
  func.func @transform_6(%arg0: i32, %arg1: i32) -> (i32, i32, i32) {
    %c0_i32 = arith.constant 0 : i32
    %c0_i32_0 = arith.constant 0 : i32
    %c0_i32_1 = arith.constant 0 : i32
    return %arg0, %c0_i32, %c0_i32_0 : i32, i32, i32
  }
}

module attributes {stable_mosaic.version = 14 : i64} {
  func.func @_tc2_kernel(%arg0: i32, %arg1: memref<1x1x2048xi32, #tpu.memory_space<vmem>>, %arg2: memref<1x2048x1xi32, #tpu.memory_space<vmem>>, %arg3: memref<1x1x2048xi32, #tpu.memory_space<vmem>>, %arg4: memref<1x2048x1xi32, #tpu.memory_space<vmem>>, %arg5: memref<1x2048x16xf32, #tpu.memory_space<vmem>>, %arg6: memref<1x1024x1xi32, #tpu.memory_space<vmem>>, %arg7: memref<1x1024x16xf32, #tpu.memory_space<vmem>>) attributes {dimension_semantics = [#tpu.dimension_semantics<parallel>], iteration_bounds = array<i64: 4>, scalar_prefetch = 0 : i64, scratch_operands = 0 : i64, tpu.core_type = #tpu.core_type<tc>, window_params = [{transform_indices = @transform_0, window_bounds = array<i64: 1, 1, 2048>}, {transform_indices = @transform_1, window_bounds = array<i64: 1, 2048, 1>}, {transform_indices = @transform_2, window_bounds = array<i64: 1, 1, 2048>}, {transform_indices = @transform_3, window_bounds = array<i64: 1, 2048, 1>}, {transform_indices = @transform_4, window_bounds = array<i64: 1, 2048, 16>}, {transform_indices = @transform_5, window_bounds = array<i64: 1, 1024, 1>}, {transform_indices = @transform_6, window_bounds = array<i64: 1, 1024, 16>}]} {
    %get3A = arith.constant 0 : index
    %get3A_0 = arith.constant 0 : index
    %get3A_1 = arith.constant 0 : index
    %get3A_2 = vector.load %arg1[%get3A, %get3A_0, %get3A_1] : memref<1x1x2048xi32, #tpu.memory_space<vmem>>, vector<1x1x2048xi32>
    %get3A_3 = vector.shape_cast %get3A_2 : vector<1x1x2048xi32> to vector<1x2048xi32>
    %get3A_4 = arith.constant 0 : index
    %get3A_5 = arith.constant 0 : index
    %get3A_6 = arith.constant 0 : index
    %get3A_7 = vector.load %arg3[%get3A_4, %get3A_5, %get3A_6] : memref<1x1x2048xi32, #tpu.memory_space<vmem>>, vector<1x1x2048xi32>
    %get3A_8 = vector.shape_cast %get3A_7 : vector<1x1x2048xi32> to vector<1x2048xi32>
    %get3A_9 = arith.constant 0 : index
    %get3A_10 = arith.constant 0 : index
    %get3A_11 = arith.constant 0 : index
    %get3A_12 = vector.load %arg2[%get3A_9, %get3A_10, %get3A_11] : memref<1x2048x1xi32, #tpu.memory_space<vmem>>, vector<1x2048x1xi32>
    %get3A_13 = vector.shape_cast %get3A_12 : vector<1x2048x1xi32> to vector<2048x1xi32>
    %get3A_14 = arith.constant 0 : index
    %get3A_15 = arith.constant 0 : index
    %get3A_16 = arith.constant 0 : index
    %get3A_17 = vector.load %arg4[%get3A_14, %get3A_15, %get3A_16] : memref<1x2048x1xi32, #tpu.memory_space<vmem>>, vector<1x2048x1xi32>
    %get3A_18 = vector.shape_cast %get3A_17 : vector<1x2048x1xi32> to vector<2048x1xi32>
    %broadcast_in_dim3A = arith.constant 0.000000e+00 : f32
    %broadcast_in_dim3A_19 = vector.broadcast %broadcast_in_dim3A : f32 to vector<2048x1xf32>
    %slice3A = vector.extract_strided_slice %get3A_3 {offsets = [0, 0], sizes = [1, 512], strides = [1, 1]} : vector<1x2048xi32> to vector<1x512xi32>
    %slice3A_20 = vector.extract_strided_slice %get3A_8 {offsets = [0, 0], sizes = [1, 512], strides = [1, 1]} : vector<1x2048xi32> to vector<1x512xi32>
    %gt3A = vector.broadcast %slice3A : vector<1x512xi32> to vector<2048x512xi32>
    %gt3A_21 = vector.broadcast %get3A_13 : vector<2048x1xi32> to vector<2048x512xi32>
    %gt3A_22 = arith.cmpi sgt, %gt3A, %gt3A_21 : vector<2048x512xi32>
    %eq3A = vector.broadcast %slice3A : vector<1x512xi32> to vector<2048x512xi32>
    %eq3A_23 = vector.broadcast %get3A_13 : vector<2048x1xi32> to vector<2048x512xi32>
    %eq3A_24 = arith.cmpi eq, %eq3A, %eq3A_23 : vector<2048x512xi32>
    %lt3A = vector.broadcast %slice3A_20 : vector<1x512xi32> to vector<2048x512xi32>
    %lt3A_25 = vector.broadcast %get3A_18 : vector<2048x1xi32> to vector<2048x512xi32>
    %lt3A_26 = arith.cmpi slt, %lt3A, %lt3A_25 : vector<2048x512xi32>
    %and3A = arith.andi %eq3A_24, %lt3A_26 : vector<2048x512xi1>
    %or3A = arith.ori %gt3A_22, %and3A : vector<2048x512xi1>
    %convert_element_type3A = arith.extui %or3A : vector<2048x512xi1> to vector<2048x512xi32>
    %convert_element_type3A_27 = arith.sitofp %convert_element_type3A : vector<2048x512xi32> to vector<2048x512xf32>
    %reduce_sum3A = arith.constant dense<0.000000e+00> : vector<2048xf32>
    %reduce_sum3A_28 = vector.multi_reduction <add>, %convert_element_type3A_27, %reduce_sum3A [1] : vector<2048x512xf32> to vector<2048xf32>
    %broadcast_in_dim3A_29 = vector.shape_cast %reduce_sum3A_28 : vector<2048xf32> to vector<2048x1xf32>
    %add3A = arith.addf %broadcast_in_dim3A_19, %broadcast_in_dim3A_29 : vector<2048x1xf32>
    %slice3A_30 = vector.extract_strided_slice %get3A_3 {offsets = [0, 512], sizes = [1, 512], strides = [1, 1]} : vector<1x2048xi32> to vector<1x512xi32>
    %slice3A_31 = vector.extract_strided_slice %get3A_8 {offsets = [0, 512], sizes = [1, 512], strides = [1, 1]} : vector<1x2048xi32> to vector<1x512xi32>
    %gt3A_32 = vector.broadcast %slice3A_30 : vector<1x512xi32> to vector<2048x512xi32>
    %gt3A_33 = vector.broadcast %get3A_13 : vector<2048x1xi32> to vector<2048x512xi32>
    %gt3A_34 = arith.cmpi sgt, %gt3A_32, %gt3A_33 : vector<2048x512xi32>
    %eq3A_35 = vector.broadcast %slice3A_30 : vector<1x512xi32> to vector<2048x512xi32>
    %eq3A_36 = vector.broadcast %get3A_13 : vector<2048x1xi32> to vector<2048x512xi32>
    %eq3A_37 = arith.cmpi eq, %eq3A_35, %eq3A_36 : vector<2048x512xi32>
    %lt3A_38 = vector.broadcast %slice3A_31 : vector<1x512xi32> to vector<2048x512xi32>
    %lt3A_39 = vector.broadcast %get3A_18 : vector<2048x1xi32> to vector<2048x512xi32>
    %lt3A_40 = arith.cmpi slt, %lt3A_38, %lt3A_39 : vector<2048x512xi32>
    %and3A_41 = arith.andi %eq3A_37, %lt3A_40 : vector<2048x512xi1>
    %or3A_42 = arith.ori %gt3A_34, %and3A_41 : vector<2048x512xi1>
    %convert_element_type3A_43 = arith.extui %or3A_42 : vector<2048x512xi1> to vector<2048x512xi32>
    %convert_element_type3A_44 = arith.sitofp %convert_element_type3A_43 : vector<2048x512xi32> to vector<2048x512xf32>
    %reduce_sum3A_45 = arith.constant dense<0.000000e+00> : vector<2048xf32>
    %reduce_sum3A_46 = vector.multi_reduction <add>, %convert_element_type3A_44, %reduce_sum3A_45 [1] : vector<2048x512xf32> to vector<2048xf32>
    %broadcast_in_dim3A_47 = vector.shape_cast %reduce_sum3A_46 : vector<2048xf32> to vector<2048x1xf32>
    %add3A_48 = arith.addf %add3A, %broadcast_in_dim3A_47 : vector<2048x1xf32>
    %slice3A_49 = vector.extract_strided_slice %get3A_3 {offsets = [0, 1024], sizes = [1, 512], strides = [1, 1]} : vector<1x2048xi32> to vector<1x512xi32>
    %slice3A_50 = vector.extract_strided_slice %get3A_8 {offsets = [0, 1024], sizes = [1, 512], strides = [1, 1]} : vector<1x2048xi32> to vector<1x512xi32>
    %gt3A_51 = vector.broadcast %slice3A_49 : vector<1x512xi32> to vector<2048x512xi32>
    %gt3A_52 = vector.broadcast %get3A_13 : vector<2048x1xi32> to vector<2048x512xi32>
    %gt3A_53 = arith.cmpi sgt, %gt3A_51, %gt3A_52 : vector<2048x512xi32>
    %eq3A_54 = vector.broadcast %slice3A_49 : vector<1x512xi32> to vector<2048x512xi32>
    %eq3A_55 = vector.broadcast %get3A_13 : vector<2048x1xi32> to vector<2048x512xi32>
    %eq3A_56 = arith.cmpi eq, %eq3A_54, %eq3A_55 : vector<2048x512xi32>
    %lt3A_57 = vector.broadcast %slice3A_50 : vector<1x512xi32> to vector<2048x512xi32>
    %lt3A_58 = vector.broadcast %get3A_18 : vector<2048x1xi32> to vector<2048x512xi32>
    %lt3A_59 = arith.cmpi slt, %lt3A_57, %lt3A_58 : vector<2048x512xi32>
    %and3A_60 = arith.andi %eq3A_56, %lt3A_59 : vector<2048x512xi1>
    %or3A_61 = arith.ori %gt3A_53, %and3A_60 : vector<2048x512xi1>
    %convert_element_type3A_62 = arith.extui %or3A_61 : vector<2048x512xi1> to vector<2048x512xi32>
    %convert_element_type3A_63 = arith.sitofp %convert_element_type3A_62 : vector<2048x512xi32> to vector<2048x512xf32>
    %reduce_sum3A_64 = arith.constant dense<0.000000e+00> : vector<2048xf32>
    %reduce_sum3A_65 = vector.multi_reduction <add>, %convert_element_type3A_63, %reduce_sum3A_64 [1] : vector<2048x512xf32> to vector<2048xf32>
    %broadcast_in_dim3A_66 = vector.shape_cast %reduce_sum3A_65 : vector<2048xf32> to vector<2048x1xf32>
    %add3A_67 = arith.addf %add3A_48, %broadcast_in_dim3A_66 : vector<2048x1xf32>
    %slice3A_68 = vector.extract_strided_slice %get3A_3 {offsets = [0, 1536], sizes = [1, 512], strides = [1, 1]} : vector<1x2048xi32> to vector<1x512xi32>
    %slice3A_69 = vector.extract_strided_slice %get3A_8 {offsets = [0, 1536], sizes = [1, 512], strides = [1, 1]} : vector<1x2048xi32> to vector<1x512xi32>
    %gt3A_70 = vector.broadcast %slice3A_68 : vector<1x512xi32> to vector<2048x512xi32>
    %gt3A_71 = vector.broadcast %get3A_13 : vector<2048x1xi32> to vector<2048x512xi32>
    %gt3A_72 = arith.cmpi sgt, %gt3A_70, %gt3A_71 : vector<2048x512xi32>
    %eq3A_73 = vector.broadcast %slice3A_68 : vector<1x512xi32> to vector<2048x512xi32>
    %eq3A_74 = vector.broadcast %get3A_13 : vector<2048x1xi32> to vector<2048x512xi32>
    %eq3A_75 = arith.cmpi eq, %eq3A_73, %eq3A_74 : vector<2048x512xi32>
    %lt3A_76 = vector.broadcast %slice3A_69 : vector<1x512xi32> to vector<2048x512xi32>
    %lt3A_77 = vector.broadcast %get3A_18 : vector<2048x1xi32> to vector<2048x512xi32>
    %lt3A_78 = arith.cmpi slt, %lt3A_76, %lt3A_77 : vector<2048x512xi32>
    %and3A_79 = arith.andi %eq3A_75, %lt3A_78 : vector<2048x512xi1>
    %or3A_80 = arith.ori %gt3A_72, %and3A_79 : vector<2048x512xi1>
    %convert_element_type3A_81 = arith.extui %or3A_80 : vector<2048x512xi1> to vector<2048x512xi32>
    %convert_element_type3A_82 = arith.sitofp %convert_element_type3A_81 : vector<2048x512xi32> to vector<2048x512xf32>
    %reduce_sum3A_83 = arith.constant dense<0.000000e+00> : vector<2048xf32>
    %reduce_sum3A_84 = vector.multi_reduction <add>, %convert_element_type3A_82, %reduce_sum3A_83 [1] : vector<2048x512xf32> to vector<2048xf32>
    %broadcast_in_dim3A_85 = vector.shape_cast %reduce_sum3A_84 : vector<2048xf32> to vector<2048x1xf32>
    %add3A_86 = arith.addf %add3A_67, %broadcast_in_dim3A_85 : vector<2048x1xf32>
    %get3A_87 = arith.constant 0 : index
    %get3A_88 = arith.constant 0 : index
    %get3A_89 = arith.constant 0 : index
    %get3A_90 = vector.load %arg5[%get3A_87, %get3A_88, %get3A_89] : memref<1x2048x16xf32, #tpu.memory_space<vmem>>, vector<1x2048x16xf32>
    %get3A_91 = vector.shape_cast %get3A_90 : vector<1x2048x16xf32> to vector<2048x16xf32>
    %convert_element_type3A_92 = arith.sitofp %get3A_18 : vector<2048x1xi32> to vector<2048x1xf32>
    %convert_element_type3A_93 = arith.fptosi %add3A_86 : vector<2048x1xf32> to vector<2048x1xi32>
    %iota3A = tpu.iota {dimensions = array<i32: 1>} : vector<1x512xi32>
    %add3A_94 = arith.constant 0 : i32
    %add3A_95 = vector.broadcast %add3A_94 : i32 to vector<1x512xi32>
    %add3A_96 = arith.addi %iota3A, %add3A_95 : vector<1x512xi32>
    %eq3A_97 = vector.broadcast %convert_element_type3A_93 : vector<2048x1xi32> to vector<2048x512xi32>
    %eq3A_98 = vector.broadcast %add3A_96 : vector<1x512xi32> to vector<2048x512xi32>
    %eq3A_99 = arith.cmpi eq, %eq3A_97, %eq3A_98 : vector<2048x512xi32>
    %convert_element_type3A_100 = arith.extui %eq3A_99 : vector<2048x512xi1> to vector<2048x512xi32>
    %convert_element_type3A_101 = arith.sitofp %convert_element_type3A_100 : vector<2048x512xi32> to vector<2048x512xf32>
    %dot_general3A = arith.constant dense<0.000000e+00> : vector<512x1xf32>
    %dot_general3A_102 = tpu.matmul %convert_element_type3A_101, %convert_element_type3A_92, %dot_general3A {dimension_numbers = #tpu.dot_dimension_numbers<[0], [0], [1], [1], [0, 1, 1, 1], [], []>, precision = #tpu.contract_precision<fp32>, transpose_lhs_hint = false} : vector<2048x512xf32>, vector<2048x1xf32>, vector<512x1xf32> -> vector<512x1xf32>
    %dot_general3A_103 = arith.constant dense<0.000000e+00> : vector<512x16xf32>
    %dot_general3A_104 = tpu.matmul %convert_element_type3A_101, %get3A_91, %dot_general3A_103 {dimension_numbers = #tpu.dot_dimension_numbers<[0], [0], [1], [1], [0, 1, 1, 1], [], []>, precision = #tpu.contract_precision<fp32>, transpose_lhs_hint = false} : vector<2048x512xf32>, vector<2048x16xf32>, vector<512x16xf32> -> vector<512x16xf32>
    %round3A = math.roundeven %dot_general3A_102 : vector<512x1xf32>
    %convert_element_type3A_105 = arith.fptosi %round3A : vector<512x1xf32> to vector<512x1xi32>
    %swap3A = arith.constant 0 : index
    %swap3A_106 = arith.constant 0 : index
    %swap3A_107 = arith.constant 0 : index
    %swap3A_108 = vector.load %arg6[%swap3A, %swap3A_106, %swap3A_107] : memref<1x1024x1xi32, #tpu.memory_space<vmem>>, vector<1x512x1xi32>
    %swap3A_109 = vector.shape_cast %swap3A_108 : vector<1x512x1xi32> to vector<512x1xi32>
    %swap3A_110 = vector.shape_cast %convert_element_type3A_105 : vector<512x1xi32> to vector<1x512x1xi32>
    tpu.vector_store %arg6[%swap3A, %swap3A_106, %swap3A_107], %swap3A_110 {strides = array<i32>} : memref<1x1024x1xi32, #tpu.memory_space<vmem>>, vector<1x512x1xi32>,
    %swap3A_111 = arith.constant 0 : index
    %swap3A_112 = arith.constant 0 : index
    %swap3A_113 = arith.constant 0 : index
    %swap3A_114 = vector.load %arg7[%swap3A_111, %swap3A_112, %swap3A_113] : memref<1x1024x16xf32, #tpu.memory_space<vmem>>, vector<1x512x16xf32>
    %swap3A_115 = vector.shape_cast %swap3A_114 : vector<1x512x16xf32> to vector<512x16xf32>
    %swap3A_116 = vector.shape_cast %dot_general3A_104 : vector<512x16xf32> to vector<1x512x16xf32>
    tpu.vector_store %arg7[%swap3A_111, %swap3A_112, %swap3A_113], %swap3A_116 {strides = array<i32>} : memref<1x1024x16xf32, #tpu.memory_space<vmem>>, vector<1x512x16xf32>,
    %iota3A_117 = tpu.iota {dimensions = array<i32: 1>} : vector<1x512xi32>
    %add3A_118 = arith.constant 512 : i32
    %add3A_119 = vector.broadcast %add3A_118 : i32 to vector<1x512xi32>
    %add3A_120 = arith.addi %iota3A_117, %add3A_119 : vector<1x512xi32>
    %eq3A_121 = vector.broadcast %convert_element_type3A_93 : vector<2048x1xi32> to vector<2048x512xi32>
    %eq3A_122 = vector.broadcast %add3A_120 : vector<1x512xi32> to vector<2048x512xi32>
    %eq3A_123 = arith.cmpi eq, %eq3A_121, %eq3A_122 : vector<2048x512xi32>
    %convert_element_type3A_124 = arith.extui %eq3A_123 : vector<2048x512xi1> to vector<2048x512xi32>
    %convert_element_type3A_125 = arith.sitofp %convert_element_type3A_124 : vector<2048x512xi32> to vector<2048x512xf32>
    %dot_general3A_126 = arith.constant dense<0.000000e+00> : vector<512x1xf32>
    %dot_general3A_127 = tpu.matmul %convert_element_type3A_125, %convert_element_type3A_92, %dot_general3A_126 {dimension_numbers = #tpu.dot_dimension_numbers<[0], [0], [1], [1], [0, 1, 1, 1], [], []>, precision = #tpu.contract_precision<fp32>, transpose_lhs_hint = false} : vector<2048x512xf32>, vector<2048x1xf32>, vector<512x1xf32> -> vector<512x1xf32>
    %dot_general3A_128 = arith.constant dense<0.000000e+00> : vector<512x16xf32>
    %dot_general3A_129 = tpu.matmul %convert_element_type3A_125, %get3A_91, %dot_general3A_128 {dimension_numbers = #tpu.dot_dimension_numbers<[0], [0], [1], [1], [0, 1, 1, 1], [], []>, precision = #tpu.contract_precision<fp32>, transpose_lhs_hint = false} : vector<2048x512xf32>, vector<2048x16xf32>, vector<512x16xf32> -> vector<512x16xf32>
    %round3A_130 = math.roundeven %dot_general3A_127 : vector<512x1xf32>
    %convert_element_type3A_131 = arith.fptosi %round3A_130 : vector<512x1xf32> to vector<512x1xi32>
    %swap3A_132 = arith.constant 0 : index
    %swap3A_133 = arith.constant 512 : index
    %swap3A_134 = arith.constant 0 : index
    %swap3A_135 = vector.load %arg6[%swap3A_132, %swap3A_133, %swap3A_134] : memref<1x1024x1xi32, #tpu.memory_space<vmem>>, vector<1x512x1xi32>
    %swap3A_136 = vector.shape_cast %swap3A_135 : vector<1x512x1xi32> to vector<512x1xi32>
    %swap3A_137 = vector.shape_cast %convert_element_type3A_131 : vector<512x1xi32> to vector<1x512x1xi32>
    tpu.vector_store %arg6[%swap3A_132, %swap3A_133, %swap3A_134], %swap3A_137 {strides = array<i32>} : memref<1x1024x1xi32, #tpu.memory_space<vmem>>, vector<1x512x1xi32>,
    %swap3A_138 = arith.constant 0 : index
    %swap3A_139 = arith.constant 512 : index
    %swap3A_140 = arith.constant 0 : index
    %swap3A_141 = vector.load %arg7[%swap3A_138, %swap3A_139, %swap3A_140] : memref<1x1024x16xf32, #tpu.memory_space<vmem>>, vector<1x512x16xf32>
    %swap3A_142 = vector.shape_cast %swap3A_141 : vector<1x512x16xf32> to vector<512x16xf32>
    %swap3A_143 = vector.shape_cast %dot_general3A_129 : vector<512x16xf32> to vector<1x512x16xf32>
    tpu.vector_store %arg7[%swap3A_138, %swap3A_139, %swap3A_140], %swap3A_143 {strides = array<i32>} : memref<1x1024x16xf32, #tpu.memory_space<vmem>>, vector<1x512x16xf32>,
    return
  }
  func.func @transform_0(%arg0: i32) -> (i32, i32, i32) {
    %c0_i32 = arith.constant 0 : i32
    %c0_i32_0 = arith.constant 0 : i32
    %c0_i32_1 = arith.constant 0 : i32
    return %arg0, %c0_i32, %c0_i32_0 : i32, i32, i32
  }
  func.func @transform_1(%arg0: i32) -> (i32, i32, i32) {
    %c0_i32 = arith.constant 0 : i32
    %c0_i32_0 = arith.constant 0 : i32
    %c0_i32_1 = arith.constant 0 : i32
    return %arg0, %c0_i32, %c0_i32_0 : i32, i32, i32
  }
  func.func @transform_2(%arg0: i32) -> (i32, i32, i32) {
    %c0_i32 = arith.constant 0 : i32
    %c0_i32_0 = arith.constant 0 : i32
    %c0_i32_1 = arith.constant 0 : i32
    return %arg0, %c0_i32, %c0_i32_0 : i32, i32, i32
  }
  func.func @transform_3(%arg0: i32) -> (i32, i32, i32) {
    %c0_i32 = arith.constant 0 : i32
    %c0_i32_0 = arith.constant 0 : i32
    %c0_i32_1 = arith.constant 0 : i32
    return %arg0, %c0_i32, %c0_i32_0 : i32, i32, i32
  }
  func.func @transform_4(%arg0: i32) -> (i32, i32, i32) {
    %c0_i32 = arith.constant 0 : i32
    %c0_i32_0 = arith.constant 0 : i32
    %c0_i32_1 = arith.constant 0 : i32
    return %arg0, %c0_i32, %c0_i32_0 : i32, i32, i32
  }
  func.func @transform_5(%arg0: i32) -> (i32, i32, i32) {
    %c0_i32 = arith.constant 0 : i32
    %c0_i32_0 = arith.constant 0 : i32
    %c0_i32_1 = arith.constant 0 : i32
    return %arg0, %c0_i32, %c0_i32_0 : i32, i32, i32
  }
  func.func @transform_6(%arg0: i32) -> (i32, i32, i32) {
    %c0_i32 = arith.constant 0 : i32
    %c0_i32_0 = arith.constant 0 : i32
    %c0_i32_1 = arith.constant 0 : i32
    return %arg0, %c0_i32, %c0_i32_0 : i32, i32, i32
  }
}

</mosaic_0001>

<sc_bundles>
// kernel: kernel.5.cloned.1.call-start
scs
__scs_entry_jumppad:
0x0: {  	(pc) =	sbr.rel $0x88, $3  }
0x1: {  	(tag) =	ssettag $0x0;
	lr =	simm.s32 $0x1  }
0x2: {  	[smem:$0x3F9E] =	sst lr;
	_ =	strace $0xD0000000  }
0x3: {  	_ = 	snop  }
0x4: {  	_ = 	snop  }
0x5: {  	_ = 	snop  }
0x6: {  	_ = 	snop  }
0x7: {  	_ = 	snop  }
__scs_overlays_trampoline_lowered:
0x8: {  	[smem:$0x3FAD] =	sst s0  }
0x9: {  	[smem:$0x3FAE] =	sst s1  }
0xa: {  	[smem:$0x3FAF] =	sst s2  }
0xb: {  	[smem:$0x3FB0] =	sst s3  }
0xc: {  	[smem:$0x3FB1] =	sst s4  }
0xd: {  	[smem:$0x3FB2] =	sst s5  }
0xe: {  	[smem:$0x3FB3] =	sst s6  }
0xf: {  	[smem:$0x3FB4] =	sst s7  }
0x10: {  	[smem:$0x3FB5] =	sst s8  }
0x11: {  	[smem:$0x3FB6] =	sst s9;
	s0 =	simm.s32 @!p0 $0x0  }
0x12: {  	s1 =	sld [smem:$0x3F9C];
	s0 =	simm.s32 @p0 $0x1  }
0x13: {  	[smem:$0x3FB7] =	sst s0;
	s0 =	simm.s32 @!p1 $0x0  }
0x14: {  	s2 =	sld [smem:$0x3F9B];
	s0 =	simm.s32 @p1 $0x1  }
0x15: {  	[smem:$0x3FB8] =	sst s0;
	s0 =	simm.s32 @!p2 $0x0  }
0x16: {  	s3 =	sld [smem:$0x3FDB];
	s0 =	simm.s32 @p2 $0x1  }
0x17: {  	s4 =	simm.s32 $0x1BF5;
	[smem:$0x3FBA] =	sst s0  }
0x18: {  	s0 =	sld [smem:$0x3F9D];
	_ =	swait.ge [sflag:s4], $0x0  }
0x19: {  	s7 =	sld [smem:$0x3F9E]  }
0x1a: {  	s8 =	sadd.s32 $0xFFFFE003, lr  }
0x1b: {  	s9 =	sadd.s32 $0xFFFFFEF7, lr;
	s5 =	simm.s32 $0xFFFFFFFF;
	p2 =	slt.u32 s8, $0xFFFFF086  }
0x1c: {  	p1 =	slt.u32 s9, $0xF7A;
	s5 =	simm.s32 @!p2 $0x0  }
0x1d: {  	s5 =	simm.s32 @p1 $0x1;
	p0 =	seq.s32 s7, s2  }
0x1e: {  	s7 =	smul.u32 @!p0 $0xF7A, s2;
	p2 =	seq.s32 @!p0 s5, $0x0  }
0x1f: {  	s9 =	smul.u32 $0xF7A, s1;
	s8 =	simm.s32 @!p0 $0x1BF5;
	p2 =	por !p2, p0  }
0x20: {  	[sflag:s8] =	ssyncset.s32 @!p0 $0xFFFFF086;
	s6 =	sadd.s32 @!p0 s3, s7;
	s7 =	simm.s32 @!p0 $0x108  }
0x21: {  	s3 =	sadd.s32 s3, s9;
	s6 =	sadd.s32 @!p0 $0x88, s6;
	s7 =	simm.s32 @p2 $0x1082  }
0x22: {  	[simem:s7], [sflag:s8] =	dma.local @!p0 [hbm:s6], $0xF7A  }
0x23: {  	s9 =	sor.u32 $0xD0000000, s2;
	s6 =	simm.s32 $0x108;
	_ =	swait.ge @!p0 [sflag:s8], $0x0  }
0x24: {  	s3 =	sadd.s32 $0x88, s3;
	s6 =	simm.s32 @!p1 $0x1082;
	[sflag:s4] =	ssyncset.s32 $0xFFFFF086  }
0x25: {  	[simem:s6], [sflag:s4] =	dma.local [hbm:s3], $0xF7A  }
0x26: {  	[smem:$0x3F9E] =	sst s1;
	(tag) =	ssettag s2;
	_ =	strace s9  }
0x27: {  	s1 =	sld [smem:$0x3FAE]  }
0x28: {  	s2 =	sld [smem:$0x3FAF]  }
0x29: {  	s4 =	sld [smem:$0x3FB1]  }
0x2a: {  	p0 =	seq.s32 s5, $0x0;
	s5 =	sld [smem:$0x3FB2]  }
0x2b: {  	s6 =	sld [smem:$0x3FB3]  }
0x2c: {  	s7 =	sld [smem:$0x3FB4]  }
0x2d: {  	s3 =	simm.s32 $0x108;
	s8 =	sld [smem:$0x3FB5]  }
0x2e: {  	s3 =	simm.s32 @!p0 $0x1082;
	s9 =	sld [smem:$0x3FB6]  }
0x2f: {  	lr =	sadd.s32 s0, s3;
	s0 =	sld [smem:$0x3FAD]  }
0x30: {  	s3 =	sld [smem:$0x3FB0]  }
0x31: {  	[smem:$0x3FB9] =	sst s10  }
0x32: {  	s10 =	sld [smem:$0x3FB7];
	_ =	sdelay $0x3  }
0x33: {  	p0 =	seq.s32 s10, $0x1;
	s10 =	sld [smem:$0x3FB9];
	_ =	sdelay $0x3  }
0x34: {  	[smem:$0x3FB9] =	sst s10  }
0x35: {  	s10 =	sld [smem:$0x3FB8];
	_ =	sdelay $0x3  }
0x36: {  	p1 =	seq.s32 s10, $0x1;
	s10 =	sld [smem:$0x3FB9];
	_ =	sdelay $0x3  }
0x37: {  	[smem:$0x3FB9] =	sst s10  }
0x38: {  	s10 =	sld [smem:$0x3FBA]  }
0x39: {  	_ = 	snop;
	(pc) =	sbr.ind lr, $3  }
0x3a: {  	_ = 	snop  }
0x3b: {  	_ = 	snop  }
0x3c: {  	p2 =	seq.s32 s10, $0x1;
	s10 =	sld [smem:$0x3FB9]  }
0x3d: {  	_ =	shalt  }
0x3e: {  	_ =	shalt  }
0x3f: {  	_ =	shalt  }
0x40: {  	_ =	shalt  }
0x41: {  	_ =	shalt  }
0x42: {  	_ =	shalt  }
0x43: {  	_ =	shalt  }
0x44: {  	_ =	shalt  }
0x45: {  	_ =	shalt  }
0x46: {  	_ =	shalt  }
0x47: {  	_ =	shalt  }
0x48: {  	_ =	shalt  }
0x49: {  	_ =	shalt  }
0x4a: {  	_ =	shalt  }
0x4b: {  	_ =	shalt  }
0x4c: {  	_ =	shalt  }
0x4d: {  	_ =	shalt  }
0x4e: {  	_ =	shalt  }
0x4f: {  	_ =	shalt  }
0x50: {  	_ =	shalt  }
0x51: {  	_ =	shalt  }
0x52: {  	_ =	shalt  }
0x53: {  	_ =	shalt  }
0x54: {  	_ =	shalt  }
0x55: {  	_ =	shalt  }
0x56: {  	_ =	shalt  }
0x57: {  	_ =	shalt  }
0x58: {  	_ =	shalt  }
0x59: {  	_ =	shalt  }
0x5a: {  	_ =	shalt  }
0x5b: {  	_ =	shalt  }
0x5c: {  	_ =	shalt  }
0x5d: {  	_ =	shalt  }
0x5e: {  	_ =	shalt  }
0x5f: {  	_ =	shalt  }
0x60: {  	_ =	shalt  }
0x61: {  	_ =	shalt  }
0x62: {  	_ =	shalt  }
0x63: {  	_ =	shalt  }
0x64: {  	_ =	shalt  }
0x65: {  	_ =	shalt  }
0x66: {  	_ =	shalt  }
0x67: {  	_ =	shalt  }
0x68: {  	_ =	shalt  }
0x69: {  	_ =	shalt  }
0x6a: {  	_ =	shalt  }
0x6b: {  	_ =	shalt  }
0x6c: {  	_ =	shalt  }
0x6d: {  	_ =	shalt  }
0x6e: {  	_ =	shalt  }
0x6f: {  	_ =	shalt  }
0x70: {  	_ =	shalt  }
0x71: {  	_ =	shalt  }
0x72: {  	_ =	shalt  }
0x73: {  	_ =	shalt  }
0x74: {  	_ =	shalt  }
0x75: {  	_ =	shalt  }
0x76: {  	_ =	shalt  }
0x77: {  	_ =	shalt  }
0x78: {  	_ =	shalt  }
0x79: {  	_ =	shalt  }
0x7a: {  	_ =	shalt  }
0x7b: {  	_ =	shalt  }
0x7c: {  	_ =	shalt  }
0x7d: {  	_ =	shalt  }
0x7e: {  	_ =	shalt  }
0x7f: {  	_ =	shalt  }
0x80: {  	_ =	shalt  }
0x81: {  	_ =	shalt  }
0x82: {  	_ =	shalt  }
0x83: {  	_ =	shalt  }
0x84: {  	_ =	shalt  }
0x85: {  	_ =	shalt  }
0x86: {  	_ =	shalt  }
0x87: {  	_ =	shalt  }
.Lfunc_end0:
.L_simem_size_0:
called_computation_lowered:
.L_overlay_start_0:
0x88: {  	s2 =	sld [smem:$0x3FD9]  }
0x89: {  	s3 =	sld [smem:$0x3FFE];
	_ =	sdelay $0x1  }
0x8a: {  	s1 =	srdreg.scid  }
0x8b: {  	s0 =	sand.u32 $0x1, s1  }
0x8c: {  	s14 =	sshll.u32 s0, $0xA;
	s2 =	sadd.s32 s3, s2  }
0x8d: {  	s2 =	sadd.s32 s2, s14  }
0x8e: {  	[smem:$0x3FC5] =	sst s2  }
0x8f: {  	_ = 	snop  }
0x90: {  	s2 =	sld [smem:$0x3FD0];
	_ =	sdelay $0x2  }
0x91: {  	s15 =	simm.s32 $0xA;
	s4 =	simm.s32 $0x10  }
0x92: {  	[smem:s4], [sflag:s15] =	dma.local [hbm:s2], $0x1  }
0x93: {  	_ =	swait.eq [sflag:s15], $0x1  }
0x94: {  	[sflag:s15] =	ssyncset.done $0x0  }
0x95: {  	s16 =	sld [smem:$0x11];
	[sflag:s15] =	ssyncadd.s32 $0xFFFFFFFF  }
0x96: {  	s17 =	sld [smem:$0x12];
	(tm) =	ssettm $0x1  }
0x97: {  	s18 =	sld [smem:$0x3FFB];
	_ =	sdelay $0x3  }
0x98: {  	_ =	strace s18  }
0x99: {  	s4 =	sld [smem:$0x3FFC];
	_ =	sdelay $0x3  }
0x9a: {  	_ =	strace s4  }
0x9b: {  	s4 =	sld [smem:$0x3FFD];
	_ =	sdelay $0x3  }
0x9c: {  	_ =	strace s4  }
0x9d: {  	_ =	strace $0x8FFFFFFF  }
0x9e: {  	s19 =	sld [smem:$0x3FDB];
	_ =	sdelay $0x1  }
0x9f: {  	s5 =	simm.s32 $_scs_section_size  }
0xa0: {  	s6 =	simm.s32 $_size__tile_overlayer_lowered;
	s7 =	simm.s32 $_tile_overlayer_lowered  }
0xa1: {  	s22 =	simm.s32 $0x1BFF;
	s21 =	sshll.u32 s7, $0x1;
	s4 =	sadd.s32 s5, s19  }
0xa2: {  	s8 =	simm.s32 $0x0;
	s20 =	sshll.u32 s6, $0x1;
	s6 =	sadd.s32 s21, s4  }
0xa3: {  	[timem:s8], [sflag:s22] =	dma.local [hbm:s6], s20  }
0xa4: {  	_ =	swait.ge [sflag:s22], s20  }
0xa5: {  	s5 =	ssub.s32 $0x0, s20;
	[sflag:s22] =	ssyncset.done $0x0  }
0xa6: {  	[sflag:s22] =	ssyncadd.s32 s5;
	_ =	sdelay $0x1  }
0xa7: {  	s23 =	simm.s32 $0x1B8B  }
0xa8: {  	_ =	swait.ge [sflag:s23], $0x1  }
0xa9: {  	[sflag:s23] =	ssyncset.done $0x0  }
0xaa: {  	s25 =	simm.s32 $0x1B8E;
	s24 =	sld [smem:$0x3FFE];
	[sflag:s23] =	ssyncadd.s32 $0xFFFFFFFF  }
0xab: {  	s26 =	simm.s32 $execute0_lowered;
	[smem:$0x3FD2] =	sst s25  }
0xac: {  	s6 =	sshll.u32 s26, $0x1;
	_ =	strace $0x80000046;
	[dreg:$0x1] =	wrdreg $0xFFFFFFFF  }
0xad: {  	s28 =	simm.s32 $_size_execute0_lowered;
	s4 =	sadd.s32 s4, s6;
	[dreg:$0x0] =	wrdreg $0x0  }
0xae: {  	s6 =	sshll.u32 s28, $0x1;
	[dreg:$0x2] =	wrdreg s4  }
0xaf: {  	[dreg:$0x3] =	wrdreg s6  }
0xb0: {  	[dreg:$0x4] =	wrdreg $0xC0  }
0xb1: {  	_ =	task [dreg:s8], $0x5FFFF  }
0xb2: {  	[dreg:$0x1] =	wrdreg $0xFFFFFFFF  }
0xb3: {  	[dreg:$0x0] =	wrdreg $0x60  }
0xb4: {  	[dreg:$0x2] =	wrdreg s24  }
0xb5: {  	[dreg:$0x3] =	wrdreg s16  }
0xb6: {  	[dreg:$0x4] =	wrdreg s17  }
0xb7: {  	[dreg:$0x5] =	wrdreg $0x9  }
0xb8: {  	_ =	task.clear_ibuf [dreg:s8], $0x6FFFF;
	_ =	strace $0x90000046  }
0xb9: {  	s29 =	simm.s32 $0x9;
	_ =	strace $0x80000048  }
0xba: {  	_ =	swait.ge [sflag:s29], $0x1  }
0xbb: {  	[sflag:s29] =	ssyncadd.s32 $0xFFFFFFFF  }
0xbc: {  	_ =	strace $0x90000048  }
0xbd: {  	_ =	sfence  }
0xbe: {  	s30 =	sld [smem:$0x0];
	_ =	sdelay $0x2  }
0xbf: {  	s31 =	sshll.u32 s1, $0xD;
	s1 =	sshrl.u32 s1, $0x2  }
0xc0: {  	s3 =	sand.u32 $0x4000, s31;
	s1 =	sadd.s32 s1, s30  }
0xc1: {  	s0 =	sor.u32 s3, s0;
	s1 =	sshll.u32 s1, $0x11  }
0xc2: {  	s0 =	sor.u32 s1, s0  }
0xc3: {  	s0 =	sadd.s32 $0x8F2B, s0  }
0xc4: {  	[sflag:s0] =	ssyncadd.remote.s32 $0x1  }
0xc5: {  	_ =	sfence.sel $0xFFFF  }
0xc6: {  	[dreg:$0x0] =	wrdreg $0xFFFFFFFF;
	(pc) =	sbr.abs _section_cstart, $3  }
0xc7: {  	[dreg:$0x1] =	wrdreg $0xFFFFFFFF  }
0xc8: {  	_ =	task.clear_ibuf [dreg:s8], $0x2FFFF;
	_ =	strace $0x9FFFFFFF  }
0xc9: {  	(tm) =	ssettm $0x7FFFFFFF  }
tec
execute0_lowered:
.L_overlay_start_1:
0x0: {  	(tag) =	ssettag $0x1  }
0x1: {  	s5 =	rddreg [dreg:$0x0]  }
0x2: {  	s11 =	rddreg [dreg:$0x1]  }
0x3: {  	s12 =	rddreg [dreg:$0x2]  }
0x4: {  	s0 =	rddreg [dreg:$0x3];
	s2 =	simm.s32 $0x0;
	s1 =	srdreg.scid  }
0x5: {  	s23 =	simm.s32 $0x0;
	[smem:$0x7FF] =	sst s2;
	s6 =	sand.u32 $0x1, s1  }
0x6: {  	s1 =	stileid.u32;
	s10 =	sadd.s32 $0x901200, s5;
	s4 =	sadd.s32 $0x913200, s5  }
0x7: {  	s13 =	sadd.s32 $0x5200, s5;
	s14 =	sadd.s32 $0x1200, s5;
	s18 =	smul.u32 $0x24000, s6  }
0x8: {  	_ =	strace $0x80000047;
	s3 =	smul.u32 $0x2400, s1;
	s7 =	ssub.s32 $0x2, s6  }
0x9: {  	s16 =	sshll.u32 s1, $0x7;
	s25 =	sshll.u32 s6, $0xB;
	s26 =	sshll.u32 s6, $0x4  }
0xa: {  	s17 =	sor.u32 $0x2, s6;
	s19 =	sshll.u32 s1, $0xB;
	s28 =	sshll.u32 s6, $0xF  }
0xb: {  	s8 =	sshrl.u32 s7, $0x1;
	s21 =	smul.u32 $0x24000, s17;
	s6 =	sadd.s32 s11, s26  }
0xc: {  	s30 =	sshll.u32 s17, $0xB;
	s22 =	sshll.u32 s17, $0xF;
	s17 =	sshll.u32 s17, $0x4  }
0xd: {  	s9 =	sadd.s32 s3, s18;
	s15 =	ssub.s32 s7, s8;
	s7 =	sor.u32 s16, s25  }
0xe: {  	s16 =	sor.u32 s16, s30;
	s11 =	sadd.s32 s11, s17;
	s17 =	simm.s32 $0x1  }
0xf: {  	v1 =	vmov s18;
	s18 =	simm.s32 $0x80;
	s24 =	sshrl.u32 s9, $0x3;
	s29 =	sshrl.u32 s7, $0x3  }
0x10: {  	s9 =	sor.u32 s19, s28;
	s20 =	sadd.s32 s3, s21;
	s19 =	sor.u32 s19, s22  }
0x11: {  	s16 =	sshrl.u32 s16, $0x3;
	s15 =	smax.u32 s15, $0x1;
	v2 =	vmov s21;
	s21 =	simm.s32 $0x2480  }
0x12: {  	s22 =	simm.s32 $0x2500;
	s5 =	sadd.s32 s10, s24;
	s7 =	sadd.s32 s12, s29  }
0x13: {  	s9 =	sshrl.u32 s9, $0x3;
	s8 =	sadd.s32 s13, s29;
	s20 =	sshrl.u32 s20, $0x3  }
0x14: {  	v0 =	vmov s1;
	s31 =	sshrl.u32 s19, $0x3;
	s12 =	sadd.s32 s12, s16;
	s13 =	sadd.s32 s13, s16  }
0x15: {  	v0 =	vor.u32 $0x10, v0;
	s16 =	simm.s32 $0x2400;
	s19 =	simm.s32 $0x2580;
	s9 =	sadd.s32 s14, s9  }
0x16: {  	v3 =	vimm.s32 $0xFFFFFFFF;
	v4 =	vimm.f32 $1.000000000e+00;
	v0 =	vbroadcast v0, $0x0;
	s10 =	sadd.s32 s10, s20;
	s14 =	sadd.s32 s14, s31;
	s20 =	simm.s32 $0x2600  }
.LBB2_1:
0x17: {  	[tilespmem:s2], [sflag:$0x1] =	stream.linear.gather [hbm4b:s5+s2], $0x2400, $0x38;
	[tilespmem:$0x2E00] =	vst v63  }
0x18: {  	_ = 	snop  }
0x19: {  	[tilespmem:s16], [sflag:$0x1] =	stream.linear.gather [hbm4b:s6+s2], $0x80, $0x38;
	[tilespmem:$0x2E00] =	vst v63  }
0x1a: {  	_ =	swait.ge [sflag:s17], $0x2400  }
0x1b: {  	[sflag:s17] =	ssyncset.done $0x0  }
0x1c: {  	[sflag:s17] =	ssyncadd.s32 $0xFFFFDC00  }
0x1d: {  	_ =	swait.ge [sflag:s17], $0x80  }
0x1e: {  	[sflag:s17] =	ssyncset.done $0x0  }
0x1f: {  	[sflag:s17] =	ssyncadd.s32 $0xFFFFFF80  }
0x20: {  	v7 =	vimm.s32 $0x0;
	v5 =	vld.idx.msk [tilespmem:v0+s16+$0x0], $0xffff;
	[tilespmem:$0x2480] =	vst v3  }
0x21: {  	[tilespmem:$0x2500] =	vst v7  }
0x22: {  	[tilespmem:$0x2580] =	vst v1  }
0x23: {  	[tilespmem:$0x2490] =	vst v3  }
0x24: {  	[tilespmem:$0x2510] =	vst v7  }
0x25: {  	[tilespmem:$0x2590] =	vst v1  }
0x26: {  	[tilespmem:$0x24A0] =	vst v3  }
0x27: {  	[tilespmem:$0x2520] =	vst v7  }
0x28: {  	[tilespmem:$0x25A0] =	vst v1  }
0x29: {  	[tilespmem:$0x24B0] =	vst v3  }
0x2a: {  	[tilespmem:$0x2530] =	vst v7  }
0x2b: {  	[tilespmem:$0x25B0] =	vst v1  }
0x2c: {  	[tilespmem:$0x24C0] =	vst v3  }
0x2d: {  	[tilespmem:$0x2540] =	vst v7  }
0x2e: {  	[tilespmem:$0x25C0] =	vst v1  }
0x2f: {  	[tilespmem:$0x24D0] =	vst v3  }
0x30: {  	[tilespmem:$0x2550] =	vst v7  }
0x31: {  	[tilespmem:$0x25D0] =	vst v1  }
0x32: {  	[tilespmem:$0x24E0] =	vst v3  }
0x33: {  	[tilespmem:$0x2560] =	vst v7  }
0x34: {  	[tilespmem:$0x25E0] =	vst v1  }
0x35: {  	s24 =	sand.u32 $0xFE00, s2;
	[tilespmem:$0x24F0] =	vst v3  }
0x36: {  	s25 =	sand.u32 $0x70, s2;
	s24 =	sshrl.u32 s24, $0x2;
	[tilespmem:$0x2570] =	vst v7  }
0x37: {  	s24 =	sor.u32 s25, s24;
	v6 =	vld [tilespmem:$0x2400];
	[tilespmem:$0x25F0] =	vst v1  }
0x38: {  	v9 =	vld [tilespmem:s24+$0x0];
	_ =	sdelay $0x4  }
0x39: {  	vm0 =	vlt.s32 v9, v6  }
0x3a: {  	v8 =	vsel vm0, $0x0, v4  }
0x3b: {  	(xrf0) =	vmax.scan.msk.f32 $0xffff, v8;
	_ =	sdelay $0x5  }
0x3c: {  	v8, _, _ =	vpop (xrf0)  }
0x3d: {  	(v2sf) =	vpush v8, $0xF;
	_ =	sdelay $0xe  }
0x3e: {  	s31 =	spop (v2sf)  }
0x3f: {  	p0 =	sgt.f32 s31, $0.0e+00;
	_ =	sdelay $0x1  }
0x40: {  	vm1 =	veq.s32 @p0 v9, v6;
	v8 =	vimm.s32 @p0 $0x0  }
0x41: {  	v10 =	vsel @p0 vm1, $0x1, v8  }
0x42: {  	(xrf0) =	vadd.scan.msk.s32 @p0 $0xffff, v10;
	_ =	sdelay $0x5  }
0x43: {  	v10, _, _ =	vpop @p0 (xrf0)  }
0x44: {  	v10 =	vadd.s32 @p0 v10, v7  }
0x45: {  	v10 =	vadd.s32 @p0 $0xFFFFFFFF, v10  }
0x46: {  	vm0 =	vlt.s32 @p0 v10, v5  }
0x47: {  	vm2 =	vgt.s32 @p0 v9, v6;
	vm0 =	vmand @p0 vm1, vm0  }
0x48: {  	vm0 =	vmor @p0 vm2, vm0  }
0x49: {  	v10 =	vsel @p0 vm0, $0x1, v8  }
0x4a: {  	(xrf0) =	vadd.scan.msk.s32 @p0 $0xffff, v10;
	_ =	sdelay $0x2  }
0x4b: {  	s24 =	sadd.s32 @p0 $0x0, s3;
	v10 =	vlaneseq.u32 @p0  }
0x4c: {  	v11 =	vor.u32 @p0 s24, v10  }
0x4d: {  	v12 =	vmul.u32 @p0 $0xAAAAAAAB, v11  }
0x4e: {  	v13 =	vmov @p0 s24;
	v14, _, _ =	vpop @p0 (xrf0)  }
0x4f: {  	v15 =	vshll.u32 @p0 v12, $0x19;
	v12 =	vshrl.u32 @p0 v12, $0x7;
	v14 =	vadd.s32 @p0 v14, v7  }
0x50: {  	vm2 =	veq.s32 @p0 v13, v10;
	v12 =	vor.u32 @p0 v15, v12;
	v14 =	vadd.s32 @p0 $0xFFFFFFFF, v14  }
0x51: {  	v15 =	vmulhi.u32 @p0 $0xAAAAAAAB, v13;
	vm3 =	vgt.u32 @p0 v12, $0xAAAAAA;
	vm4 =	vgt.s32 @p0 v14, $0x0  }
0x52: {  	vm2 =	vmand @p0 vm2, vm3;
	v12 =	vnsel @p0 vm4, $0x0, v14  }
0x53: {  	v13 =	vshrl.u32 @p0 v15, $0x8;
	v8 =	vsel @p0 vm2, $0xFFFFFFFF, v8;
	v12 =	vmin.u32 @p0 v12, $0x7F  }
0x54: {  	v8 =	vadd.s32 @p0 v8, v13;
	v14 =	vmpcnt.ones.xlane @p0 vm1  }
0x55: {  	v15 =	vmpcnt.ones.xlane @p0 vm0;
	v13 =	vmul.u32 @p0 $0xFFFFFFFA, v8  }
0x56: {  	s26 =	simm.s32 $0x40;
	v10 =	vadd.s32 @p0 $0xFFFFFB8F, v10;
	v8 =	vadd.s32 @p0 v7, v14  }
0x57: {  	s28 =	sand.u32 $0xFE00, s26;
	v13 =	vadd.s32 @p0 s24, v13;
	v14 =	vadd.s32 @p0 v7, v15;
	s24 =	simm.s32 @p0 $0x2480;
	v8 =	vpsel p0, v8, v7  }
0x58: {  	s25 =	simm.s32 $0x80;
	s29 =	simm.s32 @p0 $0x2500;
	v13 =	vadd.s32 @p0 v10, v13;
	v10 =	vpsel p0, v14, v7;
	[tilespmem:v12+s24+$0x0] =	vst.idx.msk @p0 vm0, v9;
	s24 =	simm.s32 $0x10  }
0x59: {  	s28 =	sshrl.u32 s28, $0x2;
	v11 =	vadd.s32 @p0 v1, v11;
	v7 =	vmov v10;
	v9 =	vmov v8;
	s26 =	sand.u32 $0x70, s24;
	[tilespmem:v12+s29+$0x0] =	vst.idx.msk @p0 vm0, v13;
	s29 =	simm.s32 @p0 $0x2580  }
.LBB2_2:
0x5a: {  	s28 =	sor.u32 s26, s28;
	[tilespmem:v12+s29+$0x0] =	vst.idx.msk @p0 vm0, v11;
	s26 =	smov.u32 s25;
	s25 =	sadd.s32 $0x40, s25  }
0x5b: {  	p1 =	sne.s32 s25, $0x9000;
	v13 =	vld [tilespmem:s28+$0x0];
	_ =	sdelay $0x4  }
0x5c: {  	vm0 =	vlt.s32 v13, v6  }
0x5d: {  	v11 =	vsel vm0, $0x0, v4  }
0x5e: {  	(xrf0) =	vmax.scan.msk.f32 $0xffff, v11;
	_ =	sdelay $0x5  }
0x5f: {  	v11, _, _ =	vpop (xrf0)  }
0x60: {  	(v2sf) =	vpush v11, $0xF;
	_ =	sdelay $0xe  }
0x61: {  	s28 =	spop (v2sf)  }
0x62: {  	p0 =	sgt.f32 s28, $0.0e+00;
	_ =	sdelay $0x1  }
0x63: {  	vm0 =	vgt.s32 @p0 v13, v6;
	vm1 =	veq.s32 @p0 v13, v6;
	v12 =	vimm.s32 @p0 $0x0;
	s28 =	sadd.s32 @p0 s24, s3  }
0x64: {  	v15 =	vlaneseq.u32 @p0;
	v11 =	vsel @p0 vm1, $0x1, v12;
	v14 =	vmov @p0 s28  }
0x65: {  	v16 =	vor.u32 @p0 s28, v15;
	v17 =	vmulhi.u32 @p0 $0xAAAAAAAB, v14;
	vm2 =	veq.s32 @p0 v14, v15;
	(xrf0) =	vadd.scan.msk.s32 @p0 $0xffff, v11  }
0x66: {  	v18 =	vmpcnt.ones.xlane @p0 vm1;
	v14 =	vmul.u32 @p0 $0xAAAAAAAB, v16;
	v15 =	vadd.s32 @p0 $0xFFFFFB8F, v15  }
0x67: {  	v11 =	vadd.s32 @p0 v1, v16;
	v17 =	vshrl.u32 @p0 v17, $0x8  }
0x68: {  	v18 =	vadd.s32 @p0 v8, v18;
	v16 =	vshll.u32 @p0 v14, $0x19;
	v14 =	vshrl.u32 @p0 v14, $0x7  }
0x69: {  	v8 =	vpsel p0, v18, v8;
	v16 =	vor.u32 @p0 v16, v14  }
0x6a: {  	vm3 =	vgt.u32 @p0 v16, $0xAAAAAA  }
0x6b: {  	vm2 =	vmand @p0 vm2, vm3;
	v14, _, _ =	vpop @p0 (xrf0)  }
0x6c: {  	v16 =	vsel @p0 vm2, $0xFFFFFFFF, v12;
	v14 =	vadd.s32 @p0 v14, v9;
	v9 =	vmov v8  }
0x6d: {  	v16 =	vadd.s32 @p0 v16, v17;
	v14 =	vadd.s32 @p0 $0xFFFFFFFF, v14  }
0x6e: {  	vm2 =	vlt.s32 @p0 v14, v5;
	v14 =	vmul.u32 @p0 $0xFFFFFFFA, v16  }
0x6f: {  	vm1 =	vmand @p0 vm1, vm2  }
0x70: {  	vm0 =	vmor @p0 vm0, vm1;
	v14 =	vadd.s32 @p0 s28, v14  }
0x71: {  	v14 =	vadd.s32 @p0 v15, v14;
	v12 =	vsel @p0 vm0, $0x1, v12;
	v15 =	vmpcnt.ones.xlane @p0 vm0  }
0x72: {  	(xrf0) =	vadd.scan.msk.s32 @p0 $0xffff, v12  }
0x73: {  	v12 =	vadd.s32 @p0 v10, v15  }
0x74: {  	v10 =	vpsel p0, v12, v10;
	_ =	sdelay $0x3  }
0x75: {  	v12, _, _ =	vpop @p0 (xrf0)  }
0x76: {  	v12 =	vadd.s32 @p0 v12, v7;
	v7 =	vmov v10  }
0x77: {  	v12 =	vadd.s32 @p0 $0xFFFFFFFF, v12  }
0x78: {  	vm1 =	vgt.s32 @p0 v12, $0x0  }
0x79: {  	v12 =	vnsel @p0 vm1, $0x0, v12  }
0x7a: {  	v12 =	vmin.u32 @p0 v12, $0x7F;
	_ =	sdelay $0x1  }
.Ltmp0:
0x7b: {  	(pc) =	sbr.rel @p1 .LBB2_2-.Ltmp0, $4  }
0x7c: {  	_ = 	snop  }
0x7d: {  	s28 =	simm.s32 @p0 $0x2480  }
0x7e: {  	s29 =	sand.u32 $0xFE00, s26;
	s30 =	simm.s32 @p0 $0x2500;
	s24 =	sadd.s32 $0x10, s24;
	[tilespmem:v12+s28+$0x0] =	vst.idx.msk @p0 vm0, v13  }
0x7f: {  	s26 =	sand.u32 $0x70, s24;
	s28 =	sshrl.u32 s29, $0x2;
	s29 =	simm.s32 @p0 $0x2580;
	[tilespmem:v12+s30+$0x0] =	vst.idx.msk @p0 vm0, v14  }
0x80: {  	_ =	sdelay $0x4  }
0x81: {  	s25 =	sor.u32 s26, s28;
	[tilespmem:v12+s29+$0x0] =	vst.idx.msk @p0 vm0, v11  }
0x82: {  	v8 =	vld [tilespmem:s25+$0x0];
	_ =	sdelay $0x4  }
0x83: {  	vm0 =	vlt.s32 v8, v6  }
0x84: {  	v10 =	vsel vm0, $0x0, v4  }
0x85: {  	(xrf0) =	vmax.scan.msk.f32 $0xffff, v10;
	_ =	sdelay $0x5  }
0x86: {  	v10, _, _ =	vpop (xrf0)  }
0x87: {  	(v2sf) =	vpush v10, $0xF;
	_ =	sdelay $0xe  }
0x88: {  	s31 =	spop (v2sf)  }
0x89: {  	p0 =	sgt.f32 s31, $0.0e+00;
	_ =	sdelay $0x1  }
0x8a: {  	vm0 =	veq.s32 @p0 v8, v6;
	v10 =	vimm.s32 @p0 $0x0  }
0x8b: {  	v11 =	vsel @p0 vm0, $0x1, v10  }
0x8c: {  	(xrf0) =	vadd.scan.msk.s32 @p0 $0xffff, v11;
	_ =	sdelay $0x5  }
0x8d: {  	v11, _, _ =	vpop @p0 (xrf0)  }
0x8e: {  	v9 =	vadd.s32 @p0 v11, v9  }
0x8f: {  	v9 =	vadd.s32 @p0 $0xFFFFFFFF, v9  }
0x90: {  	vm1 =	vlt.s32 @p0 v9, v5  }
0x91: {  	vm2 =	vgt.s32 @p0 v8, v6;
	vm0 =	vmand @p0 vm0, vm1  }
0x92: {  	vm0 =	vmor @p0 vm2, vm0  }
0x93: {  	v5 =	vsel @p0 vm0, $0x1, v10  }
0x94: {  	(xrf0) =	vadd.scan.msk.s32 @p0 $0xffff, v5;
	_ =	sdelay $0x2  }
0x95: {  	s24 =	sadd.s32 @p0 s24, s3;
	v5 =	vlaneseq.u32 @p0  }
0x96: {  	v6 =	vor.u32 @p0 s24, v5  }
0x97: {  	v9 =	vmul.u32 @p0 $0xAAAAAAAB, v6  }
0x98: {  	v11 =	vmov @p0 s24;
	v12, _, _ =	vpop @p0 (xrf0)  }
0x99: {  	v13 =	vshll.u32 @p0 v9, $0x19;
	v9 =	vshrl.u32 @p0 v9, $0x7;
	v7 =	vadd.s32 @p0 v12, v7  }
0x9a: {  	vm1 =	veq.s32 @p0 v11, v5;
	v9 =	vor.u32 @p0 v13, v9;
	v7 =	vadd.s32 @p0 $0xFFFFFFFF, v7  }
0x9b: {  	vm2 =	vgt.u32 @p0 v9, $0xAAAAAA;
	v12 =	vmulhi.u32 @p0 $0xAAAAAAAB, v11;
	vm3 =	vgt.s32 @p0 v7, $0x0  }
0x9c: {  	vm1 =	vmand @p0 vm1, vm2;
	v7 =	vnsel @p0 vm3, $0x0, v7  }
0x9d: {  	v10 =	vsel @p0 vm1, $0xFFFFFFFF, v10;
	v9 =	vshrl.u32 @p0 v12, $0x8;
	v7 =	vmin.u32 @p0 v7, $0x7F  }
0x9e: {  	v9 =	vadd.s32 @p0 v10, v9  }
0x9f: {  	v9 =	vmul.u32 @p0 $0xFFFFFFFA, v9;
	_ =	sdelay $0x1  }
0xa0: {  	v5 =	vadd.s32 @p0 $0xFFFFFB8F, v5;
	v9 =	vadd.s32 @p0 s24, v9;
	s24 =	simm.s32 @p0 $0x2480  }
0xa1: {  	v5 =	vadd.s32 @p0 v5, v9;
	[tilespmem:v7+s24+$0x0] =	vst.idx.msk @p0 vm0, v8;
	s24 =	simm.s32 @p0 $0x2500  }
0xa2: {  	v6 =	vadd.s32 @p0 v1, v6;
	[tilespmem:v7+s24+$0x0] =	vst.idx.msk @p0 vm0, v5;
	s24 =	simm.s32 @p0 $0x2580  }
0xa3: {  	[tilespmem:v7+s24+$0x0] =	vst.idx.msk @p0 vm0, v6  }
0xa4: {  	[tilespmem:s20], [sflag:$0x1] =	stream.indirect.gather [hbm4b:s4+s18], $0x10, s19, s18, $0xb8;
	[tilespmem:$0x2E00] =	vst v63  }
0xa5: {  	_ =	swait.ge [sflag:s17], $0x800  }
0xa6: {  	[sflag:s17] =	ssyncset.done $0x0  }
0xa7: {  	s25 =	simm.s32 $0x0;
	[sflag:s17] =	ssyncadd.s32 $0xFFFFF800  }
0xa8: {  	[hbm4b:s7+s25] =	stream.linear.scatter [tilespmem:s21], [sflag:$0x1], $0x80, $0x38;
	[tilespmem:$0x2E00] =	vst v63  }
0xa9: {  	_ = 	snop  }
0xaa: {  	[hbm4b:s8+s25] =	stream.linear.scatter [tilespmem:s22], [sflag:$0x1], $0x80, $0x38;
	[tilespmem:$0x2E00] =	vst v63  }
0xab: {  	_ = 	snop  }
0xac: {  	[hbm4b:s9+s25] =	stream.linear.scatter [tilespmem:s20], [sflag:$0x1], $0x800, $0x38;
	[tilespmem:$0x2E00] =	vst v63  }
0xad: {  	_ =	swait.ge [sflag:s17], $0x80  }
0xae: {  	[sflag:s17] =	ssyncset.done $0x0  }
0xaf: {  	[sflag:s17] =	ssyncadd.s32 $0xFFFFFF80  }
0xb0: {  	_ =	swait.ge [sflag:s17], $0x80  }
0xb1: {  	[sflag:s17] =	ssyncset.done $0x0  }
0xb2: {  	[sflag:s17] =	ssyncadd.s32 $0xFFFFFF80  }
0xb3: {  	_ =	swait.ge [sflag:s17], $0x800  }
0xb4: {  	[sflag:s17] =	ssyncset.done $0x0  }
0xb5: {  	[sflag:s17] =	ssyncadd.s32 $0xFFFFF800  }
0xb6: {  	[tilespmem:s25], [sflag:$0x1] =	stream.linear.gather [hbm4b:s10+s25], $0x2400, $0x38;
	[tilespmem:$0x2E00] =	vst v63  }
0xb7: {  	_ = 	snop  }
0xb8: {  	[tilespmem:s16], [sflag:$0x1] =	stream.linear.gather [hbm4b:s11+s25], $0x80, $0x38;
	[tilespmem:$0x2E00] =	vst v63  }
0xb9: {  	_ =	swait.ge [sflag:s17], $0x2400  }
0xba: {  	[sflag:s17] =	ssyncset.done $0x0  }
0xbb: {  	[sflag:s17] =	ssyncadd.s32 $0xFFFFDC00  }
0xbc: {  	_ =	swait.ge [sflag:s17], $0x80  }
0xbd: {  	[sflag:s17] =	ssyncset.done $0x0  }
0xbe: {  	[sflag:s17] =	ssyncadd.s32 $0xFFFFFF80  }
0xbf: {  	v7 =	vimm.s32 $0x0;
	v5 =	vld.idx.msk [tilespmem:v0+s16+$0x0], $0xffff;
	[tilespmem:$0x2480] =	vst v3  }
0xc0: {  	[tilespmem:$0x2500] =	vst v7  }
0xc1: {  	[tilespmem:$0x2580] =	vst v2  }
0xc2: {  	[tilespmem:$0x2490] =	vst v3  }
0xc3: {  	[tilespmem:$0x2510] =	vst v7  }
0xc4: {  	[tilespmem:$0x2590] =	vst v2  }
0xc5: {  	[tilespmem:$0x24A0] =	vst v3  }
0xc6: {  	[tilespmem:$0x2520] =	vst v7  }
0xc7: {  	[tilespmem:$0x25A0] =	vst v2  }
0xc8: {  	[tilespmem:$0x24B0] =	vst v3  }
0xc9: {  	[tilespmem:$0x2530] =	vst v7  }
0xca: {  	[tilespmem:$0x25B0] =	vst v2  }
0xcb: {  	[tilespmem:$0x24C0] =	vst v3  }
0xcc: {  	[tilespmem:$0x2540] =	vst v7  }
0xcd: {  	[tilespmem:$0x25C0] =	vst v2  }
0xce: {  	[tilespmem:$0x24D0] =	vst v3  }
0xcf: {  	[tilespmem:$0x2550] =	vst v7  }
0xd0: {  	[tilespmem:$0x25D0] =	vst v2  }
0xd1: {  	[tilespmem:$0x24E0] =	vst v3  }
0xd2: {  	[tilespmem:$0x2560] =	vst v7  }
0xd3: {  	[tilespmem:$0x25E0] =	vst v2  }
0xd4: {  	s26 =	sand.u32 $0xFE00, s25;
	[tilespmem:$0x24F0] =	vst v3  }
0xd5: {  	s24 =	sand.u32 $0x70, s25;
	s25 =	sshrl.u32 s26, $0x2;
	[tilespmem:$0x2570] =	vst v7  }
0xd6: {  	s24 =	sor.u32 s24, s25;
	v6 =	vld [tilespmem:$0x2400];
	[tilespmem:$0x25F0] =	vst v2  }
0xd7: {  	v9 =	vld [tilespmem:s24+$0x0];
	_ =	sdelay $0x4  }
0xd8: {  	vm0 =	vlt.s32 v9, v6  }
0xd9: {  	v8 =	vsel vm0, $0x0, v4  }
0xda: {  	(xrf0) =	vmax.scan.msk.f32 $0xffff, v8;
	_ =	sdelay $0x5  }
0xdb: {  	v8, _, _ =	vpop (xrf0)  }
0xdc: {  	(v2sf) =	vpush v8, $0xF;
	_ =	sdelay $0xe  }
0xdd: {  	s30 =	spop (v2sf)  }
0xde: {  	p0 =	sgt.f32 s30, $0.0e+00;
	_ =	sdelay $0x1  }
0xdf: {  	vm1 =	veq.s32 @p0 v9, v6;
	v8 =	vimm.s32 @p0 $0x0  }
0xe0: {  	v10 =	vsel @p0 vm1, $0x1, v8  }
0xe1: {  	(xrf0) =	vadd.scan.msk.s32 @p0 $0xffff, v10;
	_ =	sdelay $0x5  }
0xe2: {  	v10, _, _ =	vpop @p0 (xrf0)  }
0xe3: {  	v10 =	vadd.s32 @p0 v10, v7  }
0xe4: {  	v10 =	vadd.s32 @p0 $0xFFFFFFFF, v10  }
0xe5: {  	vm0 =	vlt.s32 @p0 v10, v5  }
0xe6: {  	vm2 =	vgt.s32 @p0 v9, v6;
	vm0 =	vmand @p0 vm1, vm0  }
0xe7: {  	vm0 =	vmor @p0 vm2, vm0  }
0xe8: {  	v10 =	vsel @p0 vm0, $0x1, v8  }
0xe9: {  	(xrf0) =	vadd.scan.msk.s32 @p0 $0xffff, v10;
	_ =	sdelay $0x2  }
0xea: {  	s24 =	sadd.s32 @p0 $0x0, s3;
	v10 =	vlaneseq.u32 @p0  }
0xeb: {  	v11 =	vor.u32 @p0 s24, v10  }
0xec: {  	v12 =	vmul.u32 @p0 $0xAAAAAAAB, v11  }
0xed: {  	v13 =	vmov @p0 s24;
	v14, _, _ =	vpop @p0 (xrf0)  }
0xee: {  	v15 =	vshll.u32 @p0 v12, $0x19;
	v12 =	vshrl.u32 @p0 v12, $0x7;
	v14 =	vadd.s32 @p0 v14, v7  }
0xef: {  	vm2 =	veq.s32 @p0 v13, v10;
	v12 =	vor.u32 @p0 v15, v12;
	v14 =	vadd.s32 @p0 $0xFFFFFFFF, v14  }
0xf0: {  	v15 =	vmulhi.u32 @p0 $0xAAAAAAAB, v13;
	vm3 =	vgt.u32 @p0 v12, $0xAAAAAA;
	vm4 =	vgt.s32 @p0 v14, $0x0  }
0xf1: {  	vm2 =	vmand @p0 vm2, vm3;
	v12 =	vnsel @p0 vm4, $0x0, v14  }
0xf2: {  	v13 =	vshrl.u32 @p0 v15, $0x8;
	v8 =	vsel @p0 vm2, $0xFFFFFFFF, v8;
	v12 =	vmin.u32 @p0 v12, $0x7F  }
0xf3: {  	v8 =	vadd.s32 @p0 v8, v13;
	v14 =	vmpcnt.ones.xlane @p0 vm1  }
0xf4: {  	v15 =	vmpcnt.ones.xlane @p0 vm0;
	v13 =	vmul.u32 @p0 $0xFFFFFFFA, v8  }
0xf5: {  	s31 =	simm.s32 $0x40;
	v10 =	vadd.s32 @p0 $0xFFFFFB8F, v10;
	v8 =	vadd.s32 @p0 v7, v14  }
0xf6: {  	s28 =	sand.u32 $0xFE00, s31;
	v13 =	vadd.s32 @p0 s24, v13;
	v14 =	vadd.s32 @p0 v7, v15;
	s24 =	simm.s32 @p0 $0x2480;
	v8 =	vpsel p0, v8, v7  }
0xf7: {  	s28 =	sshrl.u32 s28, $0x2;
	s29 =	simm.s32 @p0 $0x2500;
	v13 =	vadd.s32 @p0 v10, v13;
	v10 =	vpsel p0, v14, v7;
	[tilespmem:v12+s24+$0x0] =	vst.idx.msk @p0 vm0, v9;
	s24 =	simm.s32 $0x10  }
0xf8: {  	s25 =	simm.s32 $0x80;
	v11 =	vadd.s32 @p0 v2, v11;
	v7 =	vmov v10;
	v9 =	vmov v8;
	s26 =	sand.u32 $0x70, s24;
	[tilespmem:v12+s29+$0x0] =	vst.idx.msk @p0 vm0, v13;
	s29 =	simm.s32 @p0 $0x2580  }
.LBB2_4:
0xf9: {  	s28 =	sor.u32 s26, s28;
	[tilespmem:v12+s29+$0x0] =	vst.idx.msk @p0 vm0, v11;
	s26 =	smov.u32 s25;
	s25 =	sadd.s32 $0x40, s25  }
0xfa: {  	p1 =	sne.s32 s25, $0x9000;
	v13 =	vld [tilespmem:s28+$0x0];
	_ =	sdelay $0x4  }
0xfb: {  	vm0 =	vlt.s32 v13, v6  }
0xfc: {  	v11 =	vsel vm0, $0x0, v4  }
0xfd: {  	(xrf0) =	vmax.scan.msk.f32 $0xffff, v11;
	_ =	sdelay $0x5  }
0xfe: {  	v11, _, _ =	vpop (xrf0)  }
0xff: {  	(v2sf) =	vpush v11, $0xF;
	_ =	sdelay $0xe  }
0x100: {  	s28 =	spop (v2sf)  }
0x101: {  	p0 =	sgt.f32 s28, $0.0e+00;
	_ =	sdelay $0x1  }
0x102: {  	vm0 =	vgt.s32 @p0 v13, v6;
	vm1 =	veq.s32 @p0 v13, v6;
	v12 =	vimm.s32 @p0 $0x0;
	s28 =	sadd.s32 @p0 s24, s3  }
0x103: {  	v15 =	vlaneseq.u32 @p0;
	v11 =	vsel @p0 vm1, $0x1, v12;
	v14 =	vmov @p0 s28  }
0x104: {  	v16 =	vor.u32 @p0 s28, v15;
	v17 =	vmulhi.u32 @p0 $0xAAAAAAAB, v14;
	vm2 =	veq.s32 @p0 v14, v15;
	(xrf0) =	vadd.scan.msk.s32 @p0 $0xffff, v11  }
0x105: {  	v18 =	vmpcnt.ones.xlane @p0 vm1;
	v14 =	vmul.u32 @p0 $0xAAAAAAAB, v16;
	v15 =	vadd.s32 @p0 $0xFFFFFB8F, v15  }
0x106: {  	v11 =	vadd.s32 @p0 v2, v16;
	v17 =	vshrl.u32 @p0 v17, $0x8  }
0x107: {  	v18 =	vadd.s32 @p0 v8, v18;
	v16 =	vshll.u32 @p0 v14, $0x19;
	v14 =	vshrl.u32 @p0 v14, $0x7  }
0x108: {  	v8 =	vpsel p0, v18, v8;
	v16 =	vor.u32 @p0 v16, v14  }
0x109: {  	vm3 =	vgt.u32 @p0 v16, $0xAAAAAA  }
0x10a: {  	vm2 =	vmand @p0 vm2, vm3;
	v14, _, _ =	vpop @p0 (xrf0)  }
0x10b: {  	v16 =	vsel @p0 vm2, $0xFFFFFFFF, v12;
	v14 =	vadd.s32 @p0 v14, v9;
	v9 =	vmov v8  }
0x10c: {  	v16 =	vadd.s32 @p0 v16, v17;
	v14 =	vadd.s32 @p0 $0xFFFFFFFF, v14  }
0x10d: {  	vm2 =	vlt.s32 @p0 v14, v5;
	v14 =	vmul.u32 @p0 $0xFFFFFFFA, v16  }
0x10e: {  	vm1 =	vmand @p0 vm1, vm2  }
0x10f: {  	vm0 =	vmor @p0 vm0, vm1;
	v14 =	vadd.s32 @p0 s28, v14  }
0x110: {  	v14 =	vadd.s32 @p0 v15, v14;
	v12 =	vsel @p0 vm0, $0x1, v12;
	v15 =	vmpcnt.ones.xlane @p0 vm0  }
0x111: {  	(xrf0) =	vadd.scan.msk.s32 @p0 $0xffff, v12  }
0x112: {  	v12 =	vadd.s32 @p0 v10, v15  }
0x113: {  	v10 =	vpsel p0, v12, v10;
	_ =	sdelay $0x3  }
0x114: {  	v12, _, _ =	vpop @p0 (xrf0)  }
0x115: {  	v12 =	vadd.s32 @p0 v12, v7;
	v7 =	vmov v10  }
0x116: {  	v12 =	vadd.s32 @p0 $0xFFFFFFFF, v12  }
0x117: {  	vm1 =	vgt.s32 @p0 v12, $0x0  }
0x118: {  	v12 =	vnsel @p0 vm1, $0x0, v12  }
0x119: {  	v12 =	vmin.u32 @p0 v12, $0x7F;
	_ =	sdelay $0x1  }
.Ltmp1:
0x11a: {  	(pc) =	sbr.rel @p1 .LBB2_4-.Ltmp1, $4  }
0x11b: {  	_ = 	snop  }
0x11c: {  	s28 =	simm.s32 @p0 $0x2480  }
0x11d: {  	s29 =	sand.u32 $0xFE00, s26;
	s30 =	simm.s32 @p0 $0x2500;
	s24 =	sadd.s32 $0x10, s24;
	[tilespmem:v12+s28+$0x0] =	vst.idx.msk @p0 vm0, v13  }
0x11e: {  	s26 =	sand.u32 $0x70, s24;
	s28 =	sshrl.u32 s29, $0x2;
	s29 =	simm.s32 @p0 $0x2580;
	[tilespmem:v12+s30+$0x0] =	vst.idx.msk @p0 vm0, v14  }
0x11f: {  	_ =	sdelay $0x4  }
0x120: {  	s25 =	sor.u32 s26, s28;
	[tilespmem:v12+s29+$0x0] =	vst.idx.msk @p0 vm0, v11  }
0x121: {  	v8 =	vld [tilespmem:s25+$0x0];
	_ =	sdelay $0x4  }
0x122: {  	vm15 =	vlt.s32 v8, v6  }
0x123: {  	v10 =	vsel vm15, $0x0, v4  }
0x124: {  	(xrf0) =	vmax.scan.msk.f32 $0xffff, v10;
	_ =	sdelay $0x5  }
0x125: {  	v10, _, _ =	vpop (xrf0)  }
0x126: {  	(v2sf) =	vpush v10, $0xF;
	_ =	sdelay $0xe  }
0x127: {  	s31 =	spop (v2sf)  }
0x128: {  	p0 =	sgt.f32 s31, $0.0e+00;
	_ =	sdelay $0x1  }
0x129: {  	vm0 =	veq.s32 @p0 v8, v6;
	v10 =	vimm.s32 @p0 $0x0  }
0x12a: {  	v11 =	vsel @p0 vm0, $0x1, v10  }
0x12b: {  	(xrf0) =	vadd.scan.msk.s32 @p0 $0xffff, v11;
	_ =	sdelay $0x5  }
0x12c: {  	v11, _, _ =	vpop @p0 (xrf0)  }
0x12d: {  	v9 =	vadd.s32 @p0 v11, v9  }
0x12e: {  	v9 =	vadd.s32 @p0 $0xFFFFFFFF, v9  }
0x12f: {  	vm1 =	vlt.s32 @p0 v9, v5  }
0x130: {  	vm2 =	vgt.s32 @p0 v8, v6;
	vm0 =	vmand @p0 vm0, vm1  }
0x131: {  	vm0 =	vmor @p0 vm2, vm0  }
0x132: {  	v5 =	vsel @p0 vm0, $0x1, v10  }
0x133: {  	(xrf0) =	vadd.scan.msk.s32 @p0 $0xffff, v5;
	_ =	sdelay $0x2  }
0x134: {  	s24 =	sadd.s32 @p0 s24, s3;
	v5 =	vlaneseq.u32 @p0  }
0x135: {  	v6 =	vor.u32 @p0 s24, v5  }
0x136: {  	v9 =	vmul.u32 @p0 $0xAAAAAAAB, v6  }
0x137: {  	v11 =	vmov @p0 s24;
	v12, _, _ =	vpop @p0 (xrf0)  }
0x138: {  	v13 =	vshll.u32 @p0 v9, $0x19;
	v9 =	vshrl.u32 @p0 v9, $0x7;
	v7 =	vadd.s32 @p0 v12, v7  }
0x139: {  	vm1 =	veq.s32 @p0 v11, v5;
	v9 =	vor.u32 @p0 v13, v9;
	v7 =	vadd.s32 @p0 $0xFFFFFFFF, v7  }
0x13a: {  	vm2 =	vgt.u32 @p0 v9, $0xAAAAAA;
	v12 =	vmulhi.u32 @p0 $0xAAAAAAAB, v11;
	vm3 =	vgt.s32 @p0 v7, $0x0  }
0x13b: {  	vm1 =	vmand @p0 vm1, vm2;
	v7 =	vnsel @p0 vm3, $0x0, v7  }
0x13c: {  	v10 =	vsel @p0 vm1, $0xFFFFFFFF, v10;
	v9 =	vshrl.u32 @p0 v12, $0x8;
	v7 =	vmin.u32 @p0 v7, $0x7F  }
0x13d: {  	v9 =	vadd.s32 @p0 v10, v9  }
0x13e: {  	v9 =	vmul.u32 @p0 $0xFFFFFFFA, v9;
	_ =	sdelay $0x1  }
0x13f: {  	v5 =	vadd.s32 @p0 $0xFFFFFB8F, v5;
	v9 =	vadd.s32 @p0 s24, v9;
	s24 =	simm.s32 @p0 $0x2480  }
0x140: {  	v5 =	vadd.s32 @p0 v5, v9;
	[tilespmem:v7+s24+$0x0] =	vst.idx.msk @p0 vm0, v8;
	s24 =	simm.s32 @p0 $0x2500  }
0x141: {  	v6 =	vadd.s32 @p0 v2, v6;
	[tilespmem:v7+s24+$0x0] =	vst.idx.msk @p0 vm0, v5;
	s24 =	simm.s32 @p0 $0x2580  }
0x142: {  	[tilespmem:v7+s24+$0x0] =	vst.idx.msk @p0 vm0, v6  }
0x143: {  	[tilespmem:s20], [sflag:$0x1] =	stream.indirect.gather [hbm4b:s4+s18], $0x10, s19, s18, $0xb8;
	[tilespmem:$0x2E00] =	vst v63  }
0x144: {  	_ =	swait.ge [sflag:s17], $0x800  }
0x145: {  	[sflag:s17] =	ssyncset.done $0x0  }
0x146: {  	[sflag:s17] =	ssyncadd.s32 $0xFFFFF800  }
0x147: {  	[hbm4b:s12+s2] =	stream.linear.scatter [tilespmem:s21], [sflag:$0x1], $0x80, $0x38;
	[tilespmem:$0x2E00] =	vst v63  }
0x148: {  	_ = 	snop  }
0x149: {  	[hbm4b:s13+s2] =	stream.linear.scatter [tilespmem:s22], [sflag:$0x1], $0x80, $0x38;
	[tilespmem:$0x2E00] =	vst v63  }
0x14a: {  	_ = 	snop  }
0x14b: {  	[hbm4b:s14+s2] =	stream.linear.scatter [tilespmem:s20], [sflag:$0x1], $0x800, $0x38;
	[tilespmem:$0x2E00] =	vst v63  }
0x14c: {  	_ =	swait.ge [sflag:s17], $0x80  }
0x14d: {  	[sflag:s17] =	ssyncset.done $0x0  }
0x14e: {  	s23 =	sadd.s32 $0x1, s23;
	[sflag:s17] =	ssyncadd.s32 $0xFFFFFF80  }
0x14f: {  	p0 =	sne.s32 s23, s15;
	_ =	swait.ge [sflag:s17], $0x80  }
.Ltmp2:
0x150: {  	[sflag:s17] =	ssyncset.done $0x0;
	(pc) =	sbr.rel @p0 .LBB2_1-.Ltmp2, $4  }
0x151: {  	[sflag:s17] =	ssyncadd.s32 $0xFFFFFF80  }
0x152: {  	_ =	swait.ge [sflag:s17], $0x800  }
0x153: {  	[sflag:s17] =	ssyncset.done $0x0  }
0x154: {  	[sflag:s17] =	ssyncadd.s32 $0xFFFFF800  }
0x155: {  	_ =	sfence.sel $0x180000  }
0x156: {  	[bflag:$0x0] =	sbarrier.arrive $0xFFFF  }
0x157: {  	p0 =	sne.s32 s1, $0x0;
	_ =	strace $0x90000047  }
0x158: {  	s0 =	sadd.s32 @!p0 $0x100000, s0;
	[bflag:$0x2] =	sbarrier.arrive $0xFFFF  }
0x159: {  	[sflag:s0] =	ssyncadd.tile.s32 @!p0 $0x1;
	_ =	shalt  }
.Lfunc_end2:
_tile_overlayer_lowered:
.L_overlay_start_2:
0x15a: {  	(tag) =	ssettag $0x2  }
0x15b: {  	s0 =	rddreg [dreg:$0x0];
	s2 =	stileid.u32  }
0x15c: {  	s1 =	rddreg [dreg:$0x1];
	p0 =	sne.s32 s2, $0x0  }
0x15d: {  	s3 =	rddreg [dreg:$0x2];
	[bflag:$0x3] =	sbarrier.arrive $0xFFFF;
	s2 =	simm.s32 @!p0 $0x1C02  }
0x15e: {  	[timem:s3], [sflag:s2] =	dma.local @!p0 [hbm:s0], s1  }
0x15f: {  	s0 =	simm.s32 @!p0 $0x2  }
0x160: {  	_ =	swait.ge @!p0 [sflag:s0], s1  }
0x161: {  	s1 =	ssub.s32 @!p0 $0x0, s1;
	[sflag:s0] =	ssyncset.done @!p0 $0x0  }
0x162: {  	[sflag:s0] =	ssyncadd.s32 @!p0 s1  }
0x163: {  	[bflag:$0x3] =	sbarrier.arrive $0xFFFF  }
0x164: {  	_ =	shalt  }

</sc_bundles>
